<compile_context>
chip_gen: v7x
topology: tpu7x:2x2x1
jax: 0.10.2.dev20260603
libtpu: 0.0.44.dev20260713+nightly
codegen_flags: <defaults>
</compile_context>

<pallas_src>
import functools

import jax
import jax.numpy as jnp
from jax import lax
from jax.experimental import pallas as pl
from jax.experimental.pallas import tpu as pltpu
from jax.experimental.pallas import tpu_sc as plsc

_BATCH = 16384
_L = 16

_info = plsc.get_sparse_core_info()
_NC = _info.num_cores
_NS = _info.num_subcores
_NW = _NC * _NS
_BPW = _BATCH // _NW


def _body(f_hbm, cx_hbm, cy_hbm, k1_hbm, k2_hbm, idx_hbm,
          fr_hbm, ppx_hbm, ppy_hbm, drx_hbm, dry_hbm,
          of_hbm, ocx_hbm, ocy_hbm, ok1_hbm, ok2_hbm,
          idx_v, fr_v, ppx_v, ppy_v, dx_v, dy_v,
          f_v, cx_v, cy_v, k1_v, k2_v,
          of_v, ocx_v, ocy_v, ok1_v, ok2_v, sem, sem2, sem3):
  wid = lax.axis_index("s") * _NC + lax.axis_index("c")
  base = wid * _BPW
  sl_w = pl.ds(base, _BPW)

  cps = [pltpu.async_copy(src.at[sl_w], dst, sem3)
         for src, dst in ((f_hbm, f_v), (cx_hbm, cx_v), (cy_hbm, cy_v),
                          (k1_hbm, k1_v), (k2_hbm, k2_v))]

  pltpu.sync_copy(idx_hbm.at[sl_w], idx_v)

  cpg = [pltpu.async_copy(tbl.at[idx_v], dst, sem)
         for tbl, dst in ((fr_hbm, fr_v), (ppx_hbm, ppx_v), (ppy_hbm, ppy_v),
                          (drx_hbm, dx_v), (dry_hbm, dy_v))]

  for cp in cps + cpg:
    cp.wait()

  def _step(j, carry):
    s = pl.ds(j * _L, _L)
    of_v[s] = f_v[s] * jnp.exp(fr_v[s])
    ocx_v[s] = cx_v[s] + ppx_v[s]
    ocy_v[s] = cy_v[s] + ppy_v[s]
    ok1_v[s] = k1_v[s] + dx_v[s]
    ok2_v[s] = k2_v[s] + dy_v[s]
    return carry

  lax.fori_loop(0, _BPW // _L, _step, 0, unroll=4)

  cpo = [pltpu.async_copy(src, dst.at[sl_w], sem2)
         for src, dst in ((of_v, of_hbm), (ocx_v, ocx_hbm), (ocy_v, ocy_hbm),
                          (ok1_v, ok1_hbm), (ok2_v, ok2_hbm))]
  for cp in cpo:
    cp.wait()


_out = jax.ShapeDtypeStruct((_BATCH,), jnp.float32)
_f32v = pltpu.VMEM((_BPW,), jnp.float32)
_i32v = pltpu.VMEM((_BPW,), jnp.int32)

_sc_call = functools.partial(
    pl.kernel,
    mesh=plsc.VectorSubcoreMesh(core_axis_name="c", subcore_axis_name="s"),
    out_type=(_out, _out, _out, _out, _out),
    scratch_types=[
        _i32v,
        _f32v, _f32v, _f32v, _f32v, _f32v,
        _f32v, _f32v, _f32v, _f32v, _f32v,
        _f32v, _f32v, _f32v, _f32v, _f32v,
        pltpu.SemaphoreType.DMA,
        pltpu.SemaphoreType.DMA,
        pltpu.SemaphoreType.DMA,
    ],
)(_body)


@jax.jit
def kernel(f, cx, cy, k1, k2, idx,
           focal_refinements, principal_point_refinements,
           distortion_refinements):
  idx = idx.astype(jnp.int32)
  e0 = jnp.array([1.0, 0.0], jnp.float32)
  e1 = jnp.array([0.0, 1.0], jnp.float32)
  return _sc_call(f, cx, cy, k1, k2, idx,
                  focal_refinements,
                  (principal_point_refinements * e0).sum(1),
                  (principal_point_refinements * e1).sum(1),
                  (distortion_refinements * e0).sum(1),
                  (distortion_refinements * e1).sum(1))

# --- scband reference (transcript-rebuilt; emitter-appended) ---
"""Pipeline reference for scband-intrinsics-refinement-11304353923609 (READ-ONLY COPY).

The authoritative reference and input builder live on the scoring server;
editing this copy changes nothing except your own understanding.
"""

import jax, jax.numpy as jnp
import numpy as np

N_CAMS = 100000
BATCH = 16384

def setup_inputs(seed: int = 0) -> dict:
    key = jax.random.key(seed)
    ks = jax.random.split(key, 8)
    f = jax.random.uniform(ks[0], (BATCH,), dtype=jnp.float32) * 500.0 + 500.0
    cx = jax.random.normal(ks[1], (BATCH,), dtype=jnp.float32) * 5.0 + 320.0
    cy = jax.random.normal(ks[2], (BATCH,), dtype=jnp.float32) * 5.0 + 240.0
    k1 = jax.random.normal(ks[3], (BATCH,), dtype=jnp.float32) * 0.01
    k2 = jax.random.normal(ks[4], (BATCH,), dtype=jnp.float32) * 0.001
    idx = jax.random.randint(ks[5], (BATCH,), 0, N_CAMS, dtype=jnp.int64 if jax.config.read('jax_enable_x64') else jnp.int32)
    # Learned refinement parameters (initialized to zeros, as in the torch module)
    focal_refinements = jnp.zeros((N_CAMS,), dtype=jnp.float32)
    principal_point_refinements = jnp.zeros((N_CAMS, 2), dtype=jnp.float32)
    distortion_refinements = jnp.zeros((N_CAMS, 2), dtype=jnp.float32)
    return {
        'f': f, 'cx': cx, 'cy': cy, 'k1': k1, 'k2': k2, 'idx': idx,
        'focal_refinements': focal_refinements,
        'principal_point_refinements': principal_point_refinements,
        'distortion_refinements': distortion_refinements,
    }

def reference(f, cx, cy, k1, k2, idx, focal_refinements, principal_point_refinements, distortion_refinements):
    # use_log_scale=True, use_pix_scale=False, use_principal_point=True, use_distortion=True
    fr = jnp.take(focal_refinements, idx, axis=0)
    new_f = f * jnp.exp(fr)
    ppr = jnp.take(principal_point_refinements, idx, axis=0)
    new_cx = cx + ppr[..., 0]
    new_cy = cy + ppr[..., 1]
    dr = jnp.take(distortion_refinements, idx, axis=0)
    new_k1 = k1 + dr[..., 0]
    new_k2 = k2 + dr[..., 1]
    return (new_f, new_cx, new_cy, new_k1, new_k2)

if __name__ == "__main__":
    import jax
    _d = setup_inputs()
    print(jax.jit(kernel)(*tuple(_d.values())))

</pallas_src>

<mosaic_0001>
#map = affine_map<(d0, d1) -> (0)>
module attributes {stable_mosaic.version = 14 : i64} {
  func.func @_body(%arg0: i32, %arg1: i32, %arg2: memref<16384xf32, #tpu.memory_space<hbm>>, %arg3: memref<16384xf32, #tpu.memory_space<hbm>>, %arg4: memref<16384xf32, #tpu.memory_space<hbm>>, %arg5: memref<16384xf32, #tpu.memory_space<hbm>>, %arg6: memref<16384xf32, #tpu.memory_space<hbm>>, %arg7: memref<16384xi32, #tpu.memory_space<hbm>>, %arg8: memref<100000xf32, #tpu.memory_space<hbm>>, %arg9: memref<100000xf32, #tpu.memory_space<hbm>>, %arg10: memref<100000xf32, #tpu.memory_space<hbm>>, %arg11: memref<100000xf32, #tpu.memory_space<hbm>>, %arg12: memref<100000xf32, #tpu.memory_space<hbm>>, %arg13: memref<16384xf32, #tpu.memory_space<hbm>>, %arg14: memref<16384xf32, #tpu.memory_space<hbm>>, %arg15: memref<16384xf32, #tpu.memory_space<hbm>>, %arg16: memref<16384xf32, #tpu.memory_space<hbm>>, %arg17: memref<16384xf32, #tpu.memory_space<hbm>>, %arg18: memref<512xi32, #tpu.memory_space<vmem>>, %arg19: memref<512xf32, #tpu.memory_space<vmem>>, %arg20: memref<512xf32, #tpu.memory_space<vmem>>, %arg21: memref<512xf32, #tpu.memory_space<vmem>>, %arg22: memref<512xf32, #tpu.memory_space<vmem>>, %arg23: memref<512xf32, #tpu.memory_space<vmem>>, %arg24: memref<512xf32, #tpu.memory_space<vmem>>, %arg25: memref<512xf32, #tpu.memory_space<vmem>>, %arg26: memref<512xf32, #tpu.memory_space<vmem>>, %arg27: memref<512xf32, #tpu.memory_space<vmem>>, %arg28: memref<512xf32, #tpu.memory_space<vmem>>, %arg29: memref<512xf32, #tpu.memory_space<vmem>>, %arg30: memref<512xf32, #tpu.memory_space<vmem>>, %arg31: memref<512xf32, #tpu.memory_space<vmem>>, %arg32: memref<512xf32, #tpu.memory_space<vmem>>, %arg33: memref<512xf32, #tpu.memory_space<vmem>>, %arg34: memref<!tpu.dma_semaphore, #tpu.memory_space<semaphore_mem>>, %arg35: memref<!tpu.dma_semaphore, #tpu.memory_space<semaphore_mem>>, %arg36: memref<!tpu.dma_semaphore, #tpu.memory_space<semaphore_mem>>) attributes {dimension_semantics = [#tpu.dimension_semantics<core_parallel>, #tpu.dimension_semantics<subcore_parallel>], iteration_bounds = array<i64: 2, 16>, scalar_prefetch = 0 : i64, scratch_operands = 19 : i64, tpu.core_type = #tpu.core_type<sc_vector_subcore>, window_params = [{transform_indices = #map}, {transform_indices = #map}, {transform_indices = #map}, {transform_indices = #map}, {transform_indices = #map}, {transform_indices = #map}, {transform_indices = #map}, {transform_indices = #map}, {transform_indices = #map}, {transform_indices = #map}, {transform_indices = #map}, {transform_indices = #map}, {transform_indices = #map}, {transform_indices = #map}, {transform_indices = #map}, {transform_indices = #map}]} {
    %mul3A = arith.constant 2 : i32
    %mul3A_0 = arith.muli %arg1, %mul3A : i32
    %add3A = arith.addi %mul3A_0, %arg0 : i32
    %mul3A_1 = arith.constant 512 : i32
    %mul3A_2 = arith.muli %add3A, %mul3A_1 : i32
    %dma_start3A = tpu.memref_slice %arg2[%mul3A_2] : memref<16384xf32, #tpu.memory_space<hbm>> -> memref<512xf32, #tpu.memory_space<hbm>>
    %dma_start3A_3 = tpu.memref_slice %arg2[%mul3A_2] : memref<16384xf32, #tpu.memory_space<hbm>> -> memref<512xf32, #tpu.memory_space<hbm>>
    tpu.enqueue_dma source(%dma_start3A_3 : memref<512xf32, #tpu.memory_space<hbm>>) target(%arg24 : memref<512xf32, #tpu.memory_space<vmem>>) target_semaphore(%arg36 : memref<!tpu.dma_semaphore, #tpu.memory_space<semaphore_mem>>)
    %dma_start3A_4 = tpu.memref_slice %arg3[%mul3A_2] : memref<16384xf32, #tpu.memory_space<hbm>> -> memref<512xf32, #tpu.memory_space<hbm>>
    %dma_start3A_5 = tpu.memref_slice %arg3[%mul3A_2] : memref<16384xf32, #tpu.memory_space<hbm>> -> memref<512xf32, #tpu.memory_space<hbm>>
    tpu.enqueue_dma source(%dma_start3A_5 : memref<512xf32, #tpu.memory_space<hbm>>) target(%arg25 : memref<512xf32, #tpu.memory_space<vmem>>) target_semaphore(%arg36 : memref<!tpu.dma_semaphore, #tpu.memory_space<semaphore_mem>>)
    %dma_start3A_6 = tpu.memref_slice %arg4[%mul3A_2] : memref<16384xf32, #tpu.memory_space<hbm>> -> memref<512xf32, #tpu.memory_space<hbm>>
    %dma_start3A_7 = tpu.memref_slice %arg4[%mul3A_2] : memref<16384xf32, #tpu.memory_space<hbm>> -> memref<512xf32, #tpu.memory_space<hbm>>
    tpu.enqueue_dma source(%dma_start3A_7 : memref<512xf32, #tpu.memory_space<hbm>>) target(%arg26 : memref<512xf32, #tpu.memory_space<vmem>>) target_semaphore(%arg36 : memref<!tpu.dma_semaphore, #tpu.memory_space<semaphore_mem>>)
    %dma_start3A_8 = tpu.memref_slice %arg5[%mul3A_2] : memref<16384xf32, #tpu.memory_space<hbm>> -> memref<512xf32, #tpu.memory_space<hbm>>
    %dma_start3A_9 = tpu.memref_slice %arg5[%mul3A_2] : memref<16384xf32, #tpu.memory_space<hbm>> -> memref<512xf32, #tpu.memory_space<hbm>>
    tpu.enqueue_dma source(%dma_start3A_9 : memref<512xf32, #tpu.memory_space<hbm>>) target(%arg27 : memref<512xf32, #tpu.memory_space<vmem>>) target_semaphore(%arg36 : memref<!tpu.dma_semaphore, #tpu.memory_space<semaphore_mem>>)
    %dma_start3A_10 = tpu.memref_slice %arg6[%mul3A_2] : memref<16384xf32, #tpu.memory_space<hbm>> -> memref<512xf32, #tpu.memory_space<hbm>>
    %dma_start3A_11 = tpu.memref_slice %arg6[%mul3A_2] : memref<16384xf32, #tpu.memory_space<hbm>> -> memref<512xf32, #tpu.memory_space<hbm>>
    tpu.enqueue_dma source(%dma_start3A_11 : memref<512xf32, #tpu.memory_space<hbm>>) target(%arg28 : memref<512xf32, #tpu.memory_space<vmem>>) target_semaphore(%arg36 : memref<!tpu.dma_semaphore, #tpu.memory_space<semaphore_mem>>)
    "tpu.region"() ({
      %run_scoped3A = tpu.sem_alloc : memref<!tpu.dma_semaphore, #tpu.memory_space<semaphore_mem>>
      %dma_start3A_66 = tpu.memref_slice %arg7[%mul3A_2] : memref<16384xi32, #tpu.memory_space<hbm>> -> memref<512xi32, #tpu.memory_space<hbm>>
      %dma_start3A_67 = tpu.memref_slice %arg7[%mul3A_2] : memref<16384xi32, #tpu.memory_space<hbm>> -> memref<512xi32, #tpu.memory_space<hbm>>
      tpu.enqueue_dma source(%dma_start3A_67 : memref<512xi32, #tpu.memory_space<hbm>>) target(%arg18 : memref<512xi32, #tpu.memory_space<vmem>>) target_semaphore(%run_scoped3A : memref<!tpu.dma_semaphore, #tpu.memory_space<semaphore_mem>>)
      %dma_wait3A_68 = tpu.memref_slice %arg7[%mul3A_2] : memref<16384xi32, #tpu.memory_space<hbm>> -> memref<512xi32, #tpu.memory_space<hbm>>
      %dma_wait3A_69 = tpu.memref_slice %arg7[%mul3A_2] : memref<16384xi32, #tpu.memory_space<hbm>> -> memref<512xi32, #tpu.memory_space<hbm>>
      tpu.wait_dma2 semaphore(%run_scoped3A : memref<!tpu.dma_semaphore, #tpu.memory_space<semaphore_mem>>) src(%dma_wait3A_69 : memref<512xi32, #tpu.memory_space<hbm>>) dst(%arg18 : memref<512xi32, #tpu.memory_space<vmem>>)
      tpu.yield
    }) : () -> ()
    %dma_start3A_12 = arith.constant 0 : i32
    %dma_start3A_13 = tpu.memref_slice %arg8[%dma_start3A_12] : memref<100000xf32, #tpu.memory_space<hbm>> -> memref<100000xf32, #tpu.memory_space<hbm>>
    tpu.enqueue_indirect_dma source(%dma_start3A_13 : memref<100000xf32, #tpu.memory_space<hbm>>) target(%arg19 : memref<512xf32, #tpu.memory_space<vmem>>) offsets(%arg18 : memref<512xi32, #tpu.memory_space<vmem>>) semaphore(%arg34 : memref<!tpu.dma_semaphore, #tpu.memory_space<semaphore_mem>>)
    %dma_start3A_14 = arith.constant 0 : i32
    %dma_start3A_15 = tpu.memref_slice %arg9[%dma_start3A_14] : memref<100000xf32, #tpu.memory_space<hbm>> -> memref<100000xf32, #tpu.memory_space<hbm>>
    tpu.enqueue_indirect_dma source(%dma_start3A_15 : memref<100000xf32, #tpu.memory_space<hbm>>) target(%arg20 : memref<512xf32, #tpu.memory_space<vmem>>) offsets(%arg18 : memref<512xi32, #tpu.memory_space<vmem>>) semaphore(%arg34 : memref<!tpu.dma_semaphore, #tpu.memory_space<semaphore_mem>>)
    %dma_start3A_16 = arith.constant 0 : i32
    %dma_start3A_17 = tpu.memref_slice %arg10[%dma_start3A_16] : memref<100000xf32, #tpu.memory_space<hbm>> -> memref<100000xf32, #tpu.memory_space<hbm>>
    tpu.enqueue_indirect_dma source(%dma_start3A_17 : memref<100000xf32, #tpu.memory_space<hbm>>) target(%arg21 : memref<512xf32, #tpu.memory_space<vmem>>) offsets(%arg18 : memref<512xi32, #tpu.memory_space<vmem>>) semaphore(%arg34 : memref<!tpu.dma_semaphore, #tpu.memory_space<semaphore_mem>>)
    %dma_start3A_18 = arith.constant 0 : i32
    %dma_start3A_19 = tpu.memref_slice %arg11[%dma_start3A_18] : memref<100000xf32, #tpu.memory_space<hbm>> -> memref<100000xf32, #tpu.memory_space<hbm>>
    tpu.enqueue_indirect_dma source(%dma_start3A_19 : memref<100000xf32, #tpu.memory_space<hbm>>) target(%arg22 : memref<512xf32, #tpu.memory_space<vmem>>) offsets(%arg18 : memref<512xi32, #tpu.memory_space<vmem>>) semaphore(%arg34 : memref<!tpu.dma_semaphore, #tpu.memory_space<semaphore_mem>>)
    %dma_start3A_20 = arith.constant 0 : i32
    %dma_start3A_21 = tpu.memref_slice %arg12[%dma_start3A_20] : memref<100000xf32, #tpu.memory_space<hbm>> -> memref<100000xf32, #tpu.memory_space<hbm>>
    tpu.enqueue_indirect_dma source(%dma_start3A_21 : memref<100000xf32, #tpu.memory_space<hbm>>) target(%arg23 : memref<512xf32, #tpu.memory_space<vmem>>) offsets(%arg18 : memref<512xi32, #tpu.memory_space<vmem>>) semaphore(%arg34 : memref<!tpu.dma_semaphore, #tpu.memory_space<semaphore_mem>>)
    %dma_wait3A = tpu.memref_slice %arg2[%mul3A_2] : memref<16384xf32, #tpu.memory_space<hbm>> -> memref<512xf32, #tpu.memory_space<hbm>>
    %dma_wait3A_22 = tpu.memref_slice %arg2[%mul3A_2] : memref<16384xf32, #tpu.memory_space<hbm>> -> memref<512xf32, #tpu.memory_space<hbm>>
    tpu.wait_dma2 semaphore(%arg36 : memref<!tpu.dma_semaphore, #tpu.memory_space<semaphore_mem>>) src(%dma_wait3A_22 : memref<512xf32, #tpu.memory_space<hbm>>) dst(%arg24 : memref<512xf32, #tpu.memory_space<vmem>>)
    %dma_wait3A_23 = tpu.memref_slice %arg3[%mul3A_2] : memref<16384xf32, #tpu.memory_space<hbm>> -> memref<512xf32, #tpu.memory_space<hbm>>
    %dma_wait3A_24 = tpu.memref_slice %arg3[%mul3A_2] : memref<16384xf32, #tpu.memory_space<hbm>> -> memref<512xf32, #tpu.memory_space<hbm>>
    tpu.wait_dma2 semaphore(%arg36 : memref<!tpu.dma_semaphore, #tpu.memory_space<semaphore_mem>>) src(%dma_wait3A_24 : memref<512xf32, #tpu.memory_space<hbm>>) dst(%arg25 : memref<512xf32, #tpu.memory_space<vmem>>)
    %dma_wait3A_25 = tpu.memref_slice %arg4[%mul3A_2] : memref<16384xf32, #tpu.memory_space<hbm>> -> memref<512xf32, #tpu.memory_space<hbm>>
    %dma_wait3A_26 = tpu.memref_slice %arg4[%mul3A_2] : memref<16384xf32, #tpu.memory_space<hbm>> -> memref<512xf32, #tpu.memory_space<hbm>>
    tpu.wait_dma2 semaphore(%arg36 : memref<!tpu.dma_semaphore, #tpu.memory_space<semaphore_mem>>) src(%dma_wait3A_26 : memref<512xf32, #tpu.memory_space<hbm>>) dst(%arg26 : memref<512xf32, #tpu.memory_space<vmem>>)
    %dma_wait3A_27 = tpu.memref_slice %arg5[%mul3A_2] : memref<16384xf32, #tpu.memory_space<hbm>> -> memref<512xf32, #tpu.memory_space<hbm>>
    %dma_wait3A_28 = tpu.memref_slice %arg5[%mul3A_2] : memref<16384xf32, #tpu.memory_space<hbm>> -> memref<512xf32, #tpu.memory_space<hbm>>
    tpu.wait_dma2 semaphore(%arg36 : memref<!tpu.dma_semaphore, #tpu.memory_space<semaphore_mem>>) src(%dma_wait3A_28 : memref<512xf32, #tpu.memory_space<hbm>>) dst(%arg27 : memref<512xf32, #tpu.memory_space<vmem>>)
    %dma_wait3A_29 = tpu.memref_slice %arg6[%mul3A_2] : memref<16384xf32, #tpu.memory_space<hbm>> -> memref<512xf32, #tpu.memory_space<hbm>>
    %dma_wait3A_30 = tpu.memref_slice %arg6[%mul3A_2] : memref<16384xf32, #tpu.memory_space<hbm>> -> memref<512xf32, #tpu.memory_space<hbm>>
    tpu.wait_dma2 semaphore(%arg36 : memref<!tpu.dma_semaphore, #tpu.memory_space<semaphore_mem>>) src(%dma_wait3A_30 : memref<512xf32, #tpu.memory_space<hbm>>) dst(%arg28 : memref<512xf32, #tpu.memory_space<vmem>>)
    %dma_wait3A_31 = arith.constant 0 : i32
    %dma_wait3A_32 = tpu.memref_slice %arg8[%dma_wait3A_31] : memref<100000xf32, #tpu.memory_space<hbm>> -> memref<100000xf32, #tpu.memory_space<hbm>>
    tpu.wait_indirect_dma semaphore(%arg34 : memref<!tpu.dma_semaphore, #tpu.memory_space<semaphore_mem>>) src(%dma_wait3A_32 : memref<100000xf32, #tpu.memory_space<hbm>>) dst(%arg19 : memref<512xf32, #tpu.memory_space<vmem>>)
    %dma_wait3A_33 = arith.constant 0 : i32
    %dma_wait3A_34 = tpu.memref_slice %arg9[%dma_wait3A_33] : memref<100000xf32, #tpu.memory_space<hbm>> -> memref<100000xf32, #tpu.memory_space<hbm>>
    tpu.wait_indirect_dma semaphore(%arg34 : memref<!tpu.dma_semaphore, #tpu.memory_space<semaphore_mem>>) src(%dma_wait3A_34 : memref<100000xf32, #tpu.memory_space<hbm>>) dst(%arg20 : memref<512xf32, #tpu.memory_space<vmem>>)
    %dma_wait3A_35 = arith.constant 0 : i32
    %dma_wait3A_36 = tpu.memref_slice %arg10[%dma_wait3A_35] : memref<100000xf32, #tpu.memory_space<hbm>> -> memref<100000xf32, #tpu.memory_space<hbm>>
    tpu.wait_indirect_dma semaphore(%arg34 : memref<!tpu.dma_semaphore, #tpu.memory_space<semaphore_mem>>) src(%dma_wait3A_36 : memref<100000xf32, #tpu.memory_space<hbm>>) dst(%arg21 : memref<512xf32, #tpu.memory_space<vmem>>)
    %dma_wait3A_37 = arith.constant 0 : i32
    %dma_wait3A_38 = tpu.memref_slice %arg11[%dma_wait3A_37] : memref<100000xf32, #tpu.memory_space<hbm>> -> memref<100000xf32, #tpu.memory_space<hbm>>
    tpu.wait_indirect_dma semaphore(%arg34 : memref<!tpu.dma_semaphore, #tpu.memory_space<semaphore_mem>>) src(%dma_wait3A_38 : memref<100000xf32, #tpu.memory_space<hbm>>) dst(%arg22 : memref<512xf32, #tpu.memory_space<vmem>>)
    %dma_wait3A_39 = arith.constant 0 : i32
    %dma_wait3A_40 = tpu.memref_slice %arg12[%dma_wait3A_39] : memref<100000xf32, #tpu.memory_space<hbm>> -> memref<100000xf32, #tpu.memory_space<hbm>>
    tpu.wait_indirect_dma semaphore(%arg34 : memref<!tpu.dma_semaphore, #tpu.memory_space<semaphore_mem>>) src(%dma_wait3A_40 : memref<100000xf32, #tpu.memory_space<hbm>>) dst(%arg23 : memref<512xf32, #tpu.memory_space<vmem>>)
    %scan3A = arith.constant 0 : i32
    %scan3A_41 = arith.constant 0 : i32
    %scan3A_42 = arith.constant 32 : i32
    %scan3A_43 = arith.addi %scan3A_41, %scan3A_42 : i32
    %scan3A_44 = arith.constant 4 : i32
    scf.for %scan3A_66 = %scan3A_41 to %scan3A_43 step %scan3A_44  : i32 {
      %mul3A_67 = arith.constant 16 : i32
      %mul3A_68 = arith.muli %scan3A_66, %mul3A_67 : i32
      %get3A = arith.index_cast %mul3A_68 : i32 to index
      %get3A_69 = tpu.vector_load %arg24[%get3A] {strides = array<i32>} : memref<512xf32, #tpu.memory_space<vmem>>, vector<16xf32>,
      %get3A_70 = vector.shape_cast %get3A_69 : vector<16xf32> to vector<16xf32>
      %get3A_71 = arith.index_cast %mul3A_68 : i32 to index
      %get3A_72 = tpu.vector_load %arg19[%get3A_71] {strides = array<i32>} : memref<512xf32, #tpu.memory_space<vmem>>, vector<16xf32>,
      %get3A_73 = vector.shape_cast %get3A_72 : vector<16xf32> to vector<16xf32>
      %exp3A = math.exp %get3A_73 : vector<16xf32>
      %mul3A_74 = arith.mulf %get3A_70, %exp3A : vector<16xf32>
      %swap3A = arith.index_cast %mul3A_68 : i32 to index
      %swap3A_75 = tpu.vector_load %arg29[%swap3A] {strides = array<i32>} : memref<512xf32, #tpu.memory_space<vmem>>, vector<16xf32>,
      %swap3A_76 = vector.shape_cast %swap3A_75 : vector<16xf32> to vector<16xf32>
      %swap3A_77 = vector.shape_cast %mul3A_74 : vector<16xf32> to vector<16xf32>
      tpu.vector_store %arg29[%swap3A], %swap3A_77 {strides = array<i32>} : memref<512xf32, #tpu.memory_space<vmem>>, vector<16xf32>,
      %get3A_78 = arith.index_cast %mul3A_68 : i32 to index
      %get3A_79 = tpu.vector_load %arg25[%get3A_78] {strides = array<i32>} : memref<512xf32, #tpu.memory_space<vmem>>, vector<16xf32>,
      %get3A_80 = vector.shape_cast %get3A_79 : vector<16xf32> to vector<16xf32>
      %get3A_81 = arith.index_cast %mul3A_68 : i32 to index
      %get3A_82 = tpu.vector_load %arg20[%get3A_81] {strides = array<i32>} : memref<512xf32, #tpu.memory_space<vmem>>, vector<16xf32>,
      %get3A_83 = vector.shape_cast %get3A_82 : vector<16xf32> to vector<16xf32>
      %add3A_84 = arith.addf %get3A_80, %get3A_83 : vector<16xf32>
      %swap3A_85 = arith.index_cast %mul3A_68 : i32 to index
      %swap3A_86 = tpu.vector_load %arg30[%swap3A_85] {strides = array<i32>} : memref<512xf32, #tpu.memory_space<vmem>>, vector<16xf32>,
      %swap3A_87 = vector.shape_cast %swap3A_86 : vector<16xf32> to vector<16xf32>
      %swap3A_88 = vector.shape_cast %add3A_84 : vector<16xf32> to vector<16xf32>
      tpu.vector_store %arg30[%swap3A_85], %swap3A_88 {strides = array<i32>} : memref<512xf32, #tpu.memory_space<vmem>>, vector<16xf32>,
      %get3A_89 = arith.index_cast %mul3A_68 : i32 to index
      %get3A_90 = tpu.vector_load %arg26[%get3A_89] {strides = array<i32>} : memref<512xf32, #tpu.memory_space<vmem>>, vector<16xf32>,
      %get3A_91 = vector.shape_cast %get3A_90 : vector<16xf32> to vector<16xf32>
      %get3A_92 = arith.index_cast %mul3A_68 : i32 to index
      %get3A_93 = tpu.vector_load %arg21[%get3A_92] {strides = array<i32>} : memref<512xf32, #tpu.memory_space<vmem>>, vector<16xf32>,
      %get3A_94 = vector.shape_cast %get3A_93 : vector<16xf32> to vector<16xf32>
      %add3A_95 = arith.addf %get3A_91, %get3A_94 : vector<16xf32>
      %swap3A_96 = arith.index_cast %mul3A_68 : i32 to index
      %swap3A_97 = tpu.vector_load %arg31[%swap3A_96] {strides = array<i32>} : memref<512xf32, #tpu.memory_space<vmem>>, vector<16xf32>,
      %swap3A_98 = vector.shape_cast %swap3A_97 : vector<16xf32> to vector<16xf32>
      %swap3A_99 = vector.shape_cast %add3A_95 : vector<16xf32> to vector<16xf32>
      tpu.vector_store %arg31[%swap3A_96], %swap3A_99 {strides = array<i32>} : memref<512xf32, #tpu.memory_space<vmem>>, vector<16xf32>,
      %get3A_100 = arith.index_cast %mul3A_68 : i32 to index
      %get3A_101 = tpu.vector_load %arg27[%get3A_100] {strides = array<i32>} : memref<512xf32, #tpu.memory_space<vmem>>, vector<16xf32>,
      %get3A_102 = vector.shape_cast %get3A_101 : vector<16xf32> to vector<16xf32>
      %get3A_103 = arith.index_cast %mul3A_68 : i32 to index
      %get3A_104 = tpu.vector_load %arg22[%get3A_103] {strides = array<i32>} : memref<512xf32, #tpu.memory_space<vmem>>, vector<16xf32>,
      %get3A_105 = vector.shape_cast %get3A_104 : vector<16xf32> to vector<16xf32>
      %add3A_106 = arith.addf %get3A_102, %get3A_105 : vector<16xf32>
      %swap3A_107 = arith.index_cast %mul3A_68 : i32 to index
      %swap3A_108 = tpu.vector_load %arg32[%swap3A_107] {strides = array<i32>} : memref<512xf32, #tpu.memory_space<vmem>>, vector<16xf32>,
      %swap3A_109 = vector.shape_cast %swap3A_108 : vector<16xf32> to vector<16xf32>
      %swap3A_110 = vector.shape_cast %add3A_106 : vector<16xf32> to vector<16xf32>
      tpu.vector_store %arg32[%swap3A_107], %swap3A_110 {strides = array<i32>} : memref<512xf32, #tpu.memory_space<vmem>>, vector<16xf32>,
      %get3A_111 = arith.index_cast %mul3A_68 : i32 to index
      %get3A_112 = tpu.vector_load %arg28[%get3A_111] {strides = array<i32>} : memref<512xf32, #tpu.memory_space<vmem>>, vector<16xf32>,
      %get3A_113 = vector.shape_cast %get3A_112 : vector<16xf32> to vector<16xf32>
      %get3A_114 = arith.index_cast %mul3A_68 : i32 to index
      %get3A_115 = tpu.vector_load %arg23[%get3A_114] {strides = array<i32>} : memref<512xf32, #tpu.memory_space<vmem>>, vector<16xf32>,
      %get3A_116 = vector.shape_cast %get3A_115 : vector<16xf32> to vector<16xf32>
      %add3A_117 = arith.addf %get3A_113, %get3A_116 : vector<16xf32>
      %swap3A_118 = arith.index_cast %mul3A_68 : i32 to index
      %swap3A_119 = tpu.vector_load %arg33[%swap3A_118] {strides = array<i32>} : memref<512xf32, #tpu.memory_space<vmem>>, vector<16xf32>,
      %swap3A_120 = vector.shape_cast %swap3A_119 : vector<16xf32> to vector<16xf32>
      %swap3A_121 = vector.shape_cast %add3A_117 : vector<16xf32> to vector<16xf32>
      tpu.vector_store %arg33[%swap3A_118], %swap3A_121 {strides = array<i32>} : memref<512xf32, #tpu.memory_space<vmem>>, vector<16xf32>,
      %scan3A_122 = arith.constant 1 : i32
      %scan3A_123 = arith.addi %scan3A_66, %scan3A_122 : i32
      %mul3A_124 = arith.constant 16 : i32
      %mul3A_125 = arith.muli %scan3A_123, %mul3A_124 : i32
      %get3A_126 = arith.index_cast %mul3A_125 : i32 to index
      %get3A_127 = tpu.vector_load %arg24[%get3A_126] {strides = array<i32>} : memref<512xf32, #tpu.memory_space<vmem>>, vector<16xf32>,
      %get3A_128 = vector.shape_cast %get3A_127 : vector<16xf32> to vector<16xf32>
      %get3A_129 = arith.index_cast %mul3A_125 : i32 to index
      %get3A_130 = tpu.vector_load %arg19[%get3A_129] {strides = array<i32>} : memref<512xf32, #tpu.memory_space<vmem>>, vector<16xf32>,
      %get3A_131 = vector.shape_cast %get3A_130 : vector<16xf32> to vector<16xf32>
      %exp3A_132 = math.exp %get3A_131 : vector<16xf32>
      %mul3A_133 = arith.mulf %get3A_128, %exp3A_132 : vector<16xf32>
      %swap3A_134 = arith.index_cast %mul3A_125 : i32 to index
      %swap3A_135 = tpu.vector_load %arg29[%swap3A_134] {strides = array<i32>} : memref<512xf32, #tpu.memory_space<vmem>>, vector<16xf32>,
      %swap3A_136 = vector.shape_cast %swap3A_135 : vector<16xf32> to vector<16xf32>
      %swap3A_137 = vector.shape_cast %mul3A_133 : vector<16xf32> to vector<16xf32>
      tpu.vector_store %arg29[%swap3A_134], %swap3A_137 {strides = array<i32>} : memref<512xf32, #tpu.memory_space<vmem>>, vector<16xf32>,
      %get3A_138 = arith.index_cast %mul3A_125 : i32 to index
      %get3A_139 = tpu.vector_load %arg25[%get3A_138] {strides = array<i32>} : memref<512xf32, #tpu.memory_space<vmem>>, vector<16xf32>,
      %get3A_140 = vector.shape_cast %get3A_139 : vector<16xf32> to vector<16xf32>
      %get3A_141 = arith.index_cast %mul3A_125 : i32 to index
      %get3A_142 = tpu.vector_load %arg20[%get3A_141] {strides = array<i32>} : memref<512xf32, #tpu.memory_space<vmem>>, vector<16xf32>,
      %get3A_143 = vector.shape_cast %get3A_142 : vector<16xf32> to vector<16xf32>
      %add3A_144 = arith.addf %get3A_140, %get3A_143 : vector<16xf32>
      %swap3A_145 = arith.index_cast %mul3A_125 : i32 to index
      %swap3A_146 = tpu.vector_load %arg30[%swap3A_145] {strides = array<i32>} : memref<512xf32, #tpu.memory_space<vmem>>, vector<16xf32>,
      %swap3A_147 = vector.shape_cast %swap3A_146 : vector<16xf32> to vector<16xf32>
      %swap3A_148 = vector.shape_cast %add3A_144 : vector<16xf32> to vector<16xf32>
      tpu.vector_store %arg30[%swap3A_145], %swap3A_148 {strides = array<i32>} : memref<512xf32, #tpu.memory_space<vmem>>, vector<16xf32>,
      %get3A_149 = arith.index_cast %mul3A_125 : i32 to index
      %get3A_150 = tpu.vector_load %arg26[%get3A_149] {strides = array<i32>} : memref<512xf32, #tpu.memory_space<vmem>>, vector<16xf32>,
      %get3A_151 = vector.shape_cast %get3A_150 : vector<16xf32> to vector<16xf32>
      %get3A_152 = arith.index_cast %mul3A_125 : i32 to index
      %get3A_153 = tpu.vector_load %arg21[%get3A_152] {strides = array<i32>} : memref<512xf32, #tpu.memory_space<vmem>>, vector<16xf32>,
      %get3A_154 = vector.shape_cast %get3A_153 : vector<16xf32> to vector<16xf32>
      %add3A_155 = arith.addf %get3A_151, %get3A_154 : vector<16xf32>
      %swap3A_156 = arith.index_cast %mul3A_125 : i32 to index
      %swap3A_157 = tpu.vector_load %arg31[%swap3A_156] {strides = array<i32>} : memref<512xf32, #tpu.memory_space<vmem>>, vector<16xf32>,
      %swap3A_158 = vector.shape_cast %swap3A_157 : vector<16xf32> to vector<16xf32>
      %swap3A_159 = vector.shape_cast %add3A_155 : vector<16xf32> to vector<16xf32>
      tpu.vector_store %arg31[%swap3A_156], %swap3A_159 {strides = array<i32>} : memref<512xf32, #tpu.memory_space<vmem>>, vector<16xf32>,
      %get3A_160 = arith.index_cast %mul3A_125 : i32 to index
      %get3A_161 = tpu.vector_load %arg27[%get3A_160] {strides = array<i32>} : memref<512xf32, #tpu.memory_space<vmem>>, vector<16xf32>,
      %get3A_162 = vector.shape_cast %get3A_161 : vector<16xf32> to vector<16xf32>
      %get3A_163 = arith.index_cast %mul3A_125 : i32 to index
      %get3A_164 = tpu.vector_load %arg22[%get3A_163] {strides = array<i32>} : memref<512xf32, #tpu.memory_space<vmem>>, vector<16xf32>,
      %get3A_165 = vector.shape_cast %get3A_164 : vector<16xf32> to vector<16xf32>
      %add3A_166 = arith.addf %get3A_162, %get3A_165 : vector<16xf32>
      %swap3A_167 = arith.index_cast %mul3A_125 : i32 to index
      %swap3A_168 = tpu.vector_load %arg32[%swap3A_167] {strides = array<i32>} : memref<512xf32, #tpu.memory_space<vmem>>, vector<16xf32>,
      %swap3A_169 = vector.shape_cast %swap3A_168 : vector<16xf32> to vector<16xf32>
      %swap3A_170 = vector.shape_cast %add3A_166 : vector<16xf32> to vector<16xf32>
      tpu.vector_store %arg32[%swap3A_167], %swap3A_170 {strides = array<i32>} : memref<512xf32, #tpu.memory_space<vmem>>, vector<16xf32>,
      %get3A_171 = arith.index_cast %mul3A_125 : i32 to index
      %get3A_172 = tpu.vector_load %arg28[%get3A_171] {strides = array<i32>} : memref<512xf32, #tpu.memory_space<vmem>>, vector<16xf32>,
      %get3A_173 = vector.shape_cast %get3A_172 : vector<16xf32> to vector<16xf32>
      %get3A_174 = arith.index_cast %mul3A_125 : i32 to index
      %get3A_175 = tpu.vector_load %arg23[%get3A_174] {strides = array<i32>} : memref<512xf32, #tpu.memory_space<vmem>>, vector<16xf32>,
      %get3A_176 = vector.shape_cast %get3A_175 : vector<16xf32> to vector<16xf32>
      %add3A_177 = arith.addf %get3A_173, %get3A_176 : vector<16xf32>
      %swap3A_178 = arith.index_cast %mul3A_125 : i32 to index
      %swap3A_179 = tpu.vector_load %arg33[%swap3A_178] {strides = array<i32>} : memref<512xf32, #tpu.memory_space<vmem>>, vector<16xf32>,
      %swap3A_180 = vector.shape_cast %swap3A_179 : vector<16xf32> to vector<16xf32>
      %swap3A_181 = vector.shape_cast %add3A_177 : vector<16xf32> to vector<16xf32>
      tpu.vector_store %arg33[%swap3A_178], %swap3A_181 {strides = array<i32>} : memref<512xf32, #tpu.memory_space<vmem>>, vector<16xf32>,
      %scan3A_182 = arith.constant 2 : i32
      %scan3A_183 = arith.addi %scan3A_66, %scan3A_182 : i32
      %mul3A_184 = arith.constant 16 : i32
      %mul3A_185 = arith.muli %scan3A_183, %mul3A_184 : i32
      %get3A_186 = arith.index_cast %mul3A_185 : i32 to index
      %get3A_187 = tpu.vector_load %arg24[%get3A_186] {strides = array<i32>} : memref<512xf32, #tpu.memory_space<vmem>>, vector<16xf32>,
      %get3A_188 = vector.shape_cast %get3A_187 : vector<16xf32> to vector<16xf32>
      %get3A_189 = arith.index_cast %mul3A_185 : i32 to index
      %get3A_190 = tpu.vector_load %arg19[%get3A_189] {strides = array<i32>} : memref<512xf32, #tpu.memory_space<vmem>>, vector<16xf32>,
      %get3A_191 = vector.shape_cast %get3A_190 : vector<16xf32> to vector<16xf32>
      %exp3A_192 = math.exp %get3A_191 : vector<16xf32>
      %mul3A_193 = arith.mulf %get3A_188, %exp3A_192 : vector<16xf32>
      %swap3A_194 = arith.index_cast %mul3A_185 : i32 to index
      %swap3A_195 = tpu.vector_load %arg29[%swap3A_194] {strides = array<i32>} : memref<512xf32, #tpu.memory_space<vmem>>, vector<16xf32>,
      %swap3A_196 = vector.shape_cast %swap3A_195 : vector<16xf32> to vector<16xf32>
      %swap3A_197 = vector.shape_cast %mul3A_193 : vector<16xf32> to vector<16xf32>
      tpu.vector_store %arg29[%swap3A_194], %swap3A_197 {strides = array<i32>} : memref<512xf32, #tpu.memory_space<vmem>>, vector<16xf32>,
      %get3A_198 = arith.index_cast %mul3A_185 : i32 to index
      %get3A_199 = tpu.vector_load %arg25[%get3A_198] {strides = array<i32>} : memref<512xf32, #tpu.memory_space<vmem>>, vector<16xf32>,
      %get3A_200 = vector.shape_cast %get3A_199 : vector<16xf32> to vector<16xf32>
      %get3A_201 = arith.index_cast %mul3A_185 : i32 to index
      %get3A_202 = tpu.vector_load %arg20[%get3A_201] {strides = array<i32>} : memref<512xf32, #tpu.memory_space<vmem>>, vector<16xf32>,
      %get3A_203 = vector.shape_cast %get3A_202 : vector<16xf32> to vector<16xf32>
      %add3A_204 = arith.addf %get3A_200, %get3A_203 : vector<16xf32>
      %swap3A_205 = arith.index_cast %mul3A_185 : i32 to index
      %swap3A_206 = tpu.vector_load %arg30[%swap3A_205] {strides = array<i32>} : memref<512xf32, #tpu.memory_space<vmem>>, vector<16xf32>,
      %swap3A_207 = vector.shape_cast %swap3A_206 : vector<16xf32> to vector<16xf32>
      %swap3A_208 = vector.shape_cast %add3A_204 : vector<16xf32> to vector<16xf32>
      tpu.vector_store %arg30[%swap3A_205], %swap3A_208 {strides = array<i32>} : memref<512xf32, #tpu.memory_space<vmem>>, vector<16xf32>,
      %get3A_209 = arith.index_cast %mul3A_185 : i32 to index
      %get3A_210 = tpu.vector_load %arg26[%get3A_209] {strides = array<i32>} : memref<512xf32, #tpu.memory_space<vmem>>, vector<16xf32>,
      %get3A_211 = vector.shape_cast %get3A_210 : vector<16xf32> to vector<16xf32>
      %get3A_212 = arith.index_cast %mul3A_185 : i32 to index
      %get3A_213 = tpu.vector_load %arg21[%get3A_212] {strides = array<i32>} : memref<512xf32, #tpu.memory_space<vmem>>, vector<16xf32>,
      %get3A_214 = vector.shape_cast %get3A_213 : vector<16xf32> to vector<16xf32>
      %add3A_215 = arith.addf %get3A_211, %get3A_214 : vector<16xf32>
      %swap3A_216 = arith.index_cast %mul3A_185 : i32 to index
      %swap3A_217 = tpu.vector_load %arg31[%swap3A_216] {strides = array<i32>} : memref<512xf32, #tpu.memory_space<vmem>>, vector<16xf32>,
      %swap3A_218 = vector.shape_cast %swap3A_217 : vector<16xf32> to vector<16xf32>
      %swap3A_219 = vector.shape_cast %add3A_215 : vector<16xf32> to vector<16xf32>
      tpu.vector_store %arg31[%swap3A_216], %swap3A_219 {strides = array<i32>} : memref<512xf32, #tpu.memory_space<vmem>>, vector<16xf32>,
      %get3A_220 = arith.index_cast %mul3A_185 : i32 to index
      %get3A_221 = tpu.vector_load %arg27[%get3A_220] {strides = array<i32>} : memref<512xf32, #tpu.memory_space<vmem>>, vector<16xf32>,
      %get3A_222 = vector.shape_cast %get3A_221 : vector<16xf32> to vector<16xf32>
      %get3A_223 = arith.index_cast %mul3A_185 : i32 to index
      %get3A_224 = tpu.vector_load %arg22[%get3A_223] {strides = array<i32>} : memref<512xf32, #tpu.memory_space<vmem>>, vector<16xf32>,
      %get3A_225 = vector.shape_cast %get3A_224 : vector<16xf32> to vector<16xf32>
      %add3A_226 = arith.addf %get3A_222, %get3A_225 : vector<16xf32>
      %swap3A_227 = arith.index_cast %mul3A_185 : i32 to index
      %swap3A_228 = tpu.vector_load %arg32[%swap3A_227] {strides = array<i32>} : memref<512xf32, #tpu.memory_space<vmem>>, vector<16xf32>,
      %swap3A_229 = vector.shape_cast %swap3A_228 : vector<16xf32> to vector<16xf32>
      %swap3A_230 = vector.shape_cast %add3A_226 : vector<16xf32> to vector<16xf32>
      tpu.vector_store %arg32[%swap3A_227], %swap3A_230 {strides = array<i32>} : memref<512xf32, #tpu.memory_space<vmem>>, vector<16xf32>,
      %get3A_231 = arith.index_cast %mul3A_185 : i32 to index
      %get3A_232 = tpu.vector_load %arg28[%get3A_231] {strides = array<i32>} : memref<512xf32, #tpu.memory_space<vmem>>, vector<16xf32>,
      %get3A_233 = vector.shape_cast %get3A_232 : vector<16xf32> to vector<16xf32>
      %get3A_234 = arith.index_cast %mul3A_185 : i32 to index
      %get3A_235 = tpu.vector_load %arg23[%get3A_234] {strides = array<i32>} : memref<512xf32, #tpu.memory_space<vmem>>, vector<16xf32>,
      %get3A_236 = vector.shape_cast %get3A_235 : vector<16xf32> to vector<16xf32>
      %add3A_237 = arith.addf %get3A_233, %get3A_236 : vector<16xf32>
      %swap3A_238 = arith.index_cast %mul3A_185 : i32 to index
      %swap3A_239 = tpu.vector_load %arg33[%swap3A_238] {strides = array<i32>} : memref<512xf32, #tpu.memory_space<vmem>>, vector<16xf32>,
      %swap3A_240 = vector.shape_cast %swap3A_239 : vector<16xf32> to vector<16xf32>
      %swap3A_241 = vector.shape_cast %add3A_237 : vector<16xf32> to vector<16xf32>
      tpu.vector_store %arg33[%swap3A_238], %swap3A_241 {strides = array<i32>} : memref<512xf32, #tpu.memory_space<vmem>>, vector<16xf32>,
      %scan3A_242 = arith.constant 3 : i32
      %scan3A_243 = arith.addi %scan3A_66, %scan3A_242 : i32
      %mul3A_244 = arith.constant 16 : i32
      %mul3A_245 = arith.muli %scan3A_243, %mul3A_244 : i32
      %get3A_246 = arith.index_cast %mul3A_245 : i32 to index
      %get3A_247 = tpu.vector_load %arg24[%get3A_246] {strides = array<i32>} : memref<512xf32, #tpu.memory_space<vmem>>, vector<16xf32>,
      %get3A_248 = vector.shape_cast %get3A_247 : vector<16xf32> to vector<16xf32>
      %get3A_249 = arith.index_cast %mul3A_245 : i32 to index
      %get3A_250 = tpu.vector_load %arg19[%get3A_249] {strides = array<i32>} : memref<512xf32, #tpu.memory_space<vmem>>, vector<16xf32>,
      %get3A_251 = vector.shape_cast %get3A_250 : vector<16xf32> to vector<16xf32>
      %exp3A_252 = math.exp %get3A_251 : vector<16xf32>
      %mul3A_253 = arith.mulf %get3A_248, %exp3A_252 : vector<16xf32>
      %swap3A_254 = arith.index_cast %mul3A_245 : i32 to index
      %swap3A_255 = tpu.vector_load %arg29[%swap3A_254] {strides = array<i32>} : memref<512xf32, #tpu.memory_space<vmem>>, vector<16xf32>,
      %swap3A_256 = vector.shape_cast %swap3A_255 : vector<16xf32> to vector<16xf32>
      %swap3A_257 = vector.shape_cast %mul3A_253 : vector<16xf32> to vector<16xf32>
      tpu.vector_store %arg29[%swap3A_254], %swap3A_257 {strides = array<i32>} : memref<512xf32, #tpu.memory_space<vmem>>, vector<16xf32>,
      %get3A_258 = arith.index_cast %mul3A_245 : i32 to index
      %get3A_259 = tpu.vector_load %arg25[%get3A_258] {strides = array<i32>} : memref<512xf32, #tpu.memory_space<vmem>>, vector<16xf32>,
      %get3A_260 = vector.shape_cast %get3A_259 : vector<16xf32> to vector<16xf32>
      %get3A_261 = arith.index_cast %mul3A_245 : i32 to index
      %get3A_262 = tpu.vector_load %arg20[%get3A_261] {strides = array<i32>} : memref<512xf32, #tpu.memory_space<vmem>>, vector<16xf32>,
      %get3A_263 = vector.shape_cast %get3A_262 : vector<16xf32> to vector<16xf32>
      %add3A_264 = arith.addf %get3A_260, %get3A_263 : vector<16xf32>
      %swap3A_265 = arith.index_cast %mul3A_245 : i32 to index
      %swap3A_266 = tpu.vector_load %arg30[%swap3A_265] {strides = array<i32>} : memref<512xf32, #tpu.memory_space<vmem>>, vector<16xf32>,
      %swap3A_267 = vector.shape_cast %swap3A_266 : vector<16xf32> to vector<16xf32>
      %swap3A_268 = vector.shape_cast %add3A_264 : vector<16xf32> to vector<16xf32>
      tpu.vector_store %arg30[%swap3A_265], %swap3A_268 {strides = array<i32>} : memref<512xf32, #tpu.memory_space<vmem>>, vector<16xf32>,
      %get3A_269 = arith.index_cast %mul3A_245 : i32 to index
      %get3A_270 = tpu.vector_load %arg26[%get3A_269] {strides = array<i32>} : memref<512xf32, #tpu.memory_space<vmem>>, vector<16xf32>,
      %get3A_271 = vector.shape_cast %get3A_270 : vector<16xf32> to vector<16xf32>
      %get3A_272 = arith.index_cast %mul3A_245 : i32 to index
      %get3A_273 = tpu.vector_load %arg21[%get3A_272] {strides = array<i32>} : memref<512xf32, #tpu.memory_space<vmem>>, vector<16xf32>,
      %get3A_274 = vector.shape_cast %get3A_273 : vector<16xf32> to vector<16xf32>
      %add3A_275 = arith.addf %get3A_271, %get3A_274 : vector<16xf32>
      %swap3A_276 = arith.index_cast %mul3A_245 : i32 to index
      %swap3A_277 = tpu.vector_load %arg31[%swap3A_276] {strides = array<i32>} : memref<512xf32, #tpu.memory_space<vmem>>, vector<16xf32>,
      %swap3A_278 = vector.shape_cast %swap3A_277 : vector<16xf32> to vector<16xf32>
      %swap3A_279 = vector.shape_cast %add3A_275 : vector<16xf32> to vector<16xf32>
      tpu.vector_store %arg31[%swap3A_276], %swap3A_279 {strides = array<i32>} : memref<512xf32, #tpu.memory_space<vmem>>, vector<16xf32>,
      %get3A_280 = arith.index_cast %mul3A_245 : i32 to index
      %get3A_281 = tpu.vector_load %arg27[%get3A_280] {strides = array<i32>} : memref<512xf32, #tpu.memory_space<vmem>>, vector<16xf32>,
      %get3A_282 = vector.shape_cast %get3A_281 : vector<16xf32> to vector<16xf32>
      %get3A_283 = arith.index_cast %mul3A_245 : i32 to index
      %get3A_284 = tpu.vector_load %arg22[%get3A_283] {strides = array<i32>} : memref<512xf32, #tpu.memory_space<vmem>>, vector<16xf32>,
      %get3A_285 = vector.shape_cast %get3A_284 : vector<16xf32> to vector<16xf32>
      %add3A_286 = arith.addf %get3A_282, %get3A_285 : vector<16xf32>
      %swap3A_287 = arith.index_cast %mul3A_245 : i32 to index
      %swap3A_288 = tpu.vector_load %arg32[%swap3A_287] {strides = array<i32>} : memref<512xf32, #tpu.memory_space<vmem>>, vector<16xf32>,
      %swap3A_289 = vector.shape_cast %swap3A_288 : vector<16xf32> to vector<16xf32>
      %swap3A_290 = vector.shape_cast %add3A_286 : vector<16xf32> to vector<16xf32>
      tpu.vector_store %arg32[%swap3A_287], %swap3A_290 {strides = array<i32>} : memref<512xf32, #tpu.memory_space<vmem>>, vector<16xf32>,
      %get3A_291 = arith.index_cast %mul3A_245 : i32 to index
      %get3A_292 = tpu.vector_load %arg28[%get3A_291] {strides = array<i32>} : memref<512xf32, #tpu.memory_space<vmem>>, vector<16xf32>,
      %get3A_293 = vector.shape_cast %get3A_292 : vector<16xf32> to vector<16xf32>
      %get3A_294 = arith.index_cast %mul3A_245 : i32 to index
      %get3A_295 = tpu.vector_load %arg23[%get3A_294] {strides = array<i32>} : memref<512xf32, #tpu.memory_space<vmem>>, vector<16xf32>,
      %get3A_296 = vector.shape_cast %get3A_295 : vector<16xf32> to vector<16xf32>
      %add3A_297 = arith.addf %get3A_293, %get3A_296 : vector<16xf32>
      %swap3A_298 = arith.index_cast %mul3A_245 : i32 to index
      %swap3A_299 = tpu.vector_load %arg33[%swap3A_298] {strides = array<i32>} : memref<512xf32, #tpu.memory_space<vmem>>, vector<16xf32>,
      %swap3A_300 = vector.shape_cast %swap3A_299 : vector<16xf32> to vector<16xf32>
      %swap3A_301 = vector.shape_cast %add3A_297 : vector<16xf32> to vector<16xf32>
      tpu.vector_store %arg33[%swap3A_298], %swap3A_301 {strides = array<i32>} : memref<512xf32, #tpu.memory_space<vmem>>, vector<16xf32>,
    }
    %scan3A_45 = arith.constant 32 : i32
    %dma_start3A_46 = tpu.memref_slice %arg13[%mul3A_2] : memref<16384xf32, #tpu.memory_space<hbm>> -> memref<512xf32, #tpu.memory_space<hbm>>
    %dma_start3A_47 = tpu.memref_slice %arg13[%mul3A_2] : memref<16384xf32, #tpu.memory_space<hbm>> -> memref<512xf32, #tpu.memory_space<hbm>>
    tpu.enqueue_dma source(%arg29 : memref<512xf32, #tpu.memory_space<vmem>>) target(%dma_start3A_47 : memref<512xf32, #tpu.memory_space<hbm>>) target_semaphore(%arg35 : memref<!tpu.dma_semaphore, #tpu.memory_space<semaphore_mem>>)
    %dma_start3A_48 = tpu.memref_slice %arg14[%mul3A_2] : memref<16384xf32, #tpu.memory_space<hbm>> -> memref<512xf32, #tpu.memory_space<hbm>>
    %dma_start3A_49 = tpu.memref_slice %arg14[%mul3A_2] : memref<16384xf32, #tpu.memory_space<hbm>> -> memref<512xf32, #tpu.memory_space<hbm>>
    tpu.enqueue_dma source(%arg30 : memref<512xf32, #tpu.memory_space<vmem>>) target(%dma_start3A_49 : memref<512xf32, #tpu.memory_space<hbm>>) target_semaphore(%arg35 : memref<!tpu.dma_semaphore, #tpu.memory_space<semaphore_mem>>)
    %dma_start3A_50 = tpu.memref_slice %arg15[%mul3A_2] : memref<16384xf32, #tpu.memory_space<hbm>> -> memref<512xf32, #tpu.memory_space<hbm>>
    %dma_start3A_51 = tpu.memref_slice %arg15[%mul3A_2] : memref<16384xf32, #tpu.memory_space<hbm>> -> memref<512xf32, #tpu.memory_space<hbm>>
    tpu.enqueue_dma source(%arg31 : memref<512xf32, #tpu.memory_space<vmem>>) target(%dma_start3A_51 : memref<512xf32, #tpu.memory_space<hbm>>) target_semaphore(%arg35 : memref<!tpu.dma_semaphore, #tpu.memory_space<semaphore_mem>>)
    %dma_start3A_52 = tpu.memref_slice %arg16[%mul3A_2] : memref<16384xf32, #tpu.memory_space<hbm>> -> memref<512xf32, #tpu.memory_space<hbm>>
    %dma_start3A_53 = tpu.memref_slice %arg16[%mul3A_2] : memref<16384xf32, #tpu.memory_space<hbm>> -> memref<512xf32, #tpu.memory_space<hbm>>
    tpu.enqueue_dma source(%arg32 : memref<512xf32, #tpu.memory_space<vmem>>) target(%dma_start3A_53 : memref<512xf32, #tpu.memory_space<hbm>>) target_semaphore(%arg35 : memref<!tpu.dma_semaphore, #tpu.memory_space<semaphore_mem>>)
    %dma_start3A_54 = tpu.memref_slice %arg17[%mul3A_2] : memref<16384xf32, #tpu.memory_space<hbm>> -> memref<512xf32, #tpu.memory_space<hbm>>
    %dma_start3A_55 = tpu.memref_slice %arg17[%mul3A_2] : memref<16384xf32, #tpu.memory_space<hbm>> -> memref<512xf32, #tpu.memory_space<hbm>>
    tpu.enqueue_dma source(%arg33 : memref<512xf32, #tpu.memory_space<vmem>>) target(%dma_start3A_55 : memref<512xf32, #tpu.memory_space<hbm>>) target_semaphore(%arg35 : memref<!tpu.dma_semaphore, #tpu.memory_space<semaphore_mem>>)
    %dma_wait3A_56 = tpu.memref_slice %arg13[%mul3A_2] : memref<16384xf32, #tpu.memory_space<hbm>> -> memref<512xf32, #tpu.memory_space<hbm>>
    %dma_wait3A_57 = tpu.memref_slice %arg13[%mul3A_2] : memref<16384xf32, #tpu.memory_space<hbm>> -> memref<512xf32, #tpu.memory_space<hbm>>
    tpu.wait_dma2 semaphore(%arg35 : memref<!tpu.dma_semaphore, #tpu.memory_space<semaphore_mem>>) src(%arg29 : memref<512xf32, #tpu.memory_space<vmem>>) dst(%dma_wait3A_57 : memref<512xf32, #tpu.memory_space<hbm>>)
    %dma_wait3A_58 = tpu.memref_slice %arg14[%mul3A_2] : memref<16384xf32, #tpu.memory_space<hbm>> -> memref<512xf32, #tpu.memory_space<hbm>>
    %dma_wait3A_59 = tpu.memref_slice %arg14[%mul3A_2] : memref<16384xf32, #tpu.memory_space<hbm>> -> memref<512xf32, #tpu.memory_space<hbm>>
    tpu.wait_dma2 semaphore(%arg35 : memref<!tpu.dma_semaphore, #tpu.memory_space<semaphore_mem>>) src(%arg30 : memref<512xf32, #tpu.memory_space<vmem>>) dst(%dma_wait3A_59 : memref<512xf32, #tpu.memory_space<hbm>>)
    %dma_wait3A_60 = tpu.memref_slice %arg15[%mul3A_2] : memref<16384xf32, #tpu.memory_space<hbm>> -> memref<512xf32, #tpu.memory_space<hbm>>
    %dma_wait3A_61 = tpu.memref_slice %arg15[%mul3A_2] : memref<16384xf32, #tpu.memory_space<hbm>> -> memref<512xf32, #tpu.memory_space<hbm>>
    tpu.wait_dma2 semaphore(%arg35 : memref<!tpu.dma_semaphore, #tpu.memory_space<semaphore_mem>>) src(%arg31 : memref<512xf32, #tpu.memory_space<vmem>>) dst(%dma_wait3A_61 : memref<512xf32, #tpu.memory_space<hbm>>)
    %dma_wait3A_62 = tpu.memref_slice %arg16[%mul3A_2] : memref<16384xf32, #tpu.memory_space<hbm>> -> memref<512xf32, #tpu.memory_space<hbm>>
    %dma_wait3A_63 = tpu.memref_slice %arg16[%mul3A_2] : memref<16384xf32, #tpu.memory_space<hbm>> -> memref<512xf32, #tpu.memory_space<hbm>>
    tpu.wait_dma2 semaphore(%arg35 : memref<!tpu.dma_semaphore, #tpu.memory_space<semaphore_mem>>) src(%arg32 : memref<512xf32, #tpu.memory_space<vmem>>) dst(%dma_wait3A_63 : memref<512xf32, #tpu.memory_space<hbm>>)
    %dma_wait3A_64 = tpu.memref_slice %arg17[%mul3A_2] : memref<16384xf32, #tpu.memory_space<hbm>> -> memref<512xf32, #tpu.memory_space<hbm>>
    %dma_wait3A_65 = tpu.memref_slice %arg17[%mul3A_2] : memref<16384xf32, #tpu.memory_space<hbm>> -> memref<512xf32, #tpu.memory_space<hbm>>
    tpu.wait_dma2 semaphore(%arg35 : memref<!tpu.dma_semaphore, #tpu.memory_space<semaphore_mem>>) src(%arg33 : memref<512xf32, #tpu.memory_space<vmem>>) dst(%dma_wait3A_65 : memref<512xf32, #tpu.memory_space<hbm>>)
    return
  }
}

</mosaic_0001>

<sc_bundles>
// kernel: kernel.3.cloned.1.call-start
scs
__scs_entry_jumppad:
0x0: {  	(pc) =	sbr.rel $0x88, $3  }
0x1: {  	(tag) =	ssettag $0x0;
	lr =	simm.s32 $0x1  }
0x2: {  	[smem:$0x3F98] =	sst lr;
	_ =	strace $0xD0000000  }
0x3: {  	_ = 	snop  }
0x4: {  	_ = 	snop  }
0x5: {  	_ = 	snop  }
0x6: {  	_ = 	snop  }
0x7: {  	_ = 	snop  }
__scs_overlays_trampoline_lowered:
0x8: {  	[smem:$0x3FA7] =	sst s0  }
0x9: {  	[smem:$0x3FA8] =	sst s1  }
0xa: {  	[smem:$0x3FA9] =	sst s2  }
0xb: {  	[smem:$0x3FAA] =	sst s3  }
0xc: {  	[smem:$0x3FAB] =	sst s4  }
0xd: {  	[smem:$0x3FAC] =	sst s5  }
0xe: {  	[smem:$0x3FAD] =	sst s6  }
0xf: {  	[smem:$0x3FAE] =	sst s7  }
0x10: {  	[smem:$0x3FAF] =	sst s8  }
0x11: {  	[smem:$0x3FB0] =	sst s9;
	s0 =	simm.s32 @!p0 $0x0  }
0x12: {  	s1 =	sld [smem:$0x3F96];
	s0 =	simm.s32 @p0 $0x1  }
0x13: {  	[smem:$0x3FB1] =	sst s0;
	s0 =	simm.s32 @!p1 $0x0  }
0x14: {  	s2 =	sld [smem:$0x3F95];
	s0 =	simm.s32 @p1 $0x1  }
0x15: {  	[smem:$0x3FB2] =	sst s0;
	s0 =	simm.s32 @!p2 $0x0  }
0x16: {  	s3 =	sld [smem:$0x3FDB];
	s0 =	simm.s32 @p2 $0x1  }
0x17: {  	s4 =	simm.s32 $0x1BF5;
	[smem:$0x3FB4] =	sst s0  }
0x18: {  	s0 =	sld [smem:$0x3F97];
	_ =	swait.ge [sflag:s4], $0x0  }
0x19: {  	s7 =	sld [smem:$0x3F98]  }
0x1a: {  	s8 =	sadd.s32 $0xFFFFE003, lr  }
0x1b: {  	s9 =	sadd.s32 $0xFFFFFEF7, lr;
	s5 =	simm.s32 $0xFFFFFFFF;
	p2 =	slt.u32 s8, $0xFFFFF086  }
0x1c: {  	p1 =	slt.u32 s9, $0xF7A;
	s5 =	simm.s32 @!p2 $0x0  }
0x1d: {  	s5 =	simm.s32 @p1 $0x1;
	p0 =	seq.s32 s7, s2  }
0x1e: {  	s7 =	smul.u32 @!p0 $0xF7A, s2;
	p2 =	seq.s32 @!p0 s5, $0x0  }
0x1f: {  	s9 =	smul.u32 $0xF7A, s1;
	s8 =	simm.s32 @!p0 $0x1BF5;
	p2 =	por !p2, p0  }
0x20: {  	[sflag:s8] =	ssyncset.s32 @!p0 $0xFFFFF086;
	s6 =	sadd.s32 @!p0 s3, s7;
	s7 =	simm.s32 @!p0 $0x108  }
0x21: {  	s3 =	sadd.s32 s3, s9;
	s6 =	sadd.s32 @!p0 $0x88, s6;
	s7 =	simm.s32 @p2 $0x1082  }
0x22: {  	[simem:s7], [sflag:s8] =	dma.local @!p0 [hbm:s6], $0xF7A  }
0x23: {  	s9 =	sor.u32 $0xD0000000, s2;
	s6 =	simm.s32 $0x108;
	_ =	swait.ge @!p0 [sflag:s8], $0x0  }
0x24: {  	s3 =	sadd.s32 $0x88, s3;
	s6 =	simm.s32 @!p1 $0x1082;
	[sflag:s4] =	ssyncset.s32 $0xFFFFF086  }
0x25: {  	[simem:s6], [sflag:s4] =	dma.local [hbm:s3], $0xF7A  }
0x26: {  	[smem:$0x3F98] =	sst s1;
	(tag) =	ssettag s2;
	_ =	strace s9  }
0x27: {  	s1 =	sld [smem:$0x3FA8]  }
0x28: {  	s2 =	sld [smem:$0x3FA9]  }
0x29: {  	s4 =	sld [smem:$0x3FAB]  }
0x2a: {  	p0 =	seq.s32 s5, $0x0;
	s5 =	sld [smem:$0x3FAC]  }
0x2b: {  	s6 =	sld [smem:$0x3FAD]  }
0x2c: {  	s7 =	sld [smem:$0x3FAE]  }
0x2d: {  	s3 =	simm.s32 $0x108;
	s8 =	sld [smem:$0x3FAF]  }
0x2e: {  	s3 =	simm.s32 @!p0 $0x1082;
	s9 =	sld [smem:$0x3FB0]  }
0x2f: {  	lr =	sadd.s32 s0, s3;
	s0 =	sld [smem:$0x3FA7]  }
0x30: {  	s3 =	sld [smem:$0x3FAA]  }
0x31: {  	[smem:$0x3FB3] =	sst s10  }
0x32: {  	s10 =	sld [smem:$0x3FB1];
	_ =	sdelay $0x3  }
0x33: {  	p0 =	seq.s32 s10, $0x1;
	s10 =	sld [smem:$0x3FB3];
	_ =	sdelay $0x3  }
0x34: {  	[smem:$0x3FB3] =	sst s10  }
0x35: {  	s10 =	sld [smem:$0x3FB2];
	_ =	sdelay $0x3  }
0x36: {  	p1 =	seq.s32 s10, $0x1;
	s10 =	sld [smem:$0x3FB3];
	_ =	sdelay $0x3  }
0x37: {  	[smem:$0x3FB3] =	sst s10  }
0x38: {  	s10 =	sld [smem:$0x3FB4]  }
0x39: {  	_ = 	snop;
	(pc) =	sbr.ind lr, $3  }
0x3a: {  	_ = 	snop  }
0x3b: {  	_ = 	snop  }
0x3c: {  	p2 =	seq.s32 s10, $0x1;
	s10 =	sld [smem:$0x3FB3]  }
0x3d: {  	_ =	shalt  }
0x3e: {  	_ =	shalt  }
0x3f: {  	_ =	shalt  }
0x40: {  	_ =	shalt  }
0x41: {  	_ =	shalt  }
0x42: {  	_ =	shalt  }
0x43: {  	_ =	shalt  }
0x44: {  	_ =	shalt  }
0x45: {  	_ =	shalt  }
0x46: {  	_ =	shalt  }
0x47: {  	_ =	shalt  }
0x48: {  	_ =	shalt  }
0x49: {  	_ =	shalt  }
0x4a: {  	_ =	shalt  }
0x4b: {  	_ =	shalt  }
0x4c: {  	_ =	shalt  }
0x4d: {  	_ =	shalt  }
0x4e: {  	_ =	shalt  }
0x4f: {  	_ =	shalt  }
0x50: {  	_ =	shalt  }
0x51: {  	_ =	shalt  }
0x52: {  	_ =	shalt  }
0x53: {  	_ =	shalt  }
0x54: {  	_ =	shalt  }
0x55: {  	_ =	shalt  }
0x56: {  	_ =	shalt  }
0x57: {  	_ =	shalt  }
0x58: {  	_ =	shalt  }
0x59: {  	_ =	shalt  }
0x5a: {  	_ =	shalt  }
0x5b: {  	_ =	shalt  }
0x5c: {  	_ =	shalt  }
0x5d: {  	_ =	shalt  }
0x5e: {  	_ =	shalt  }
0x5f: {  	_ =	shalt  }
0x60: {  	_ =	shalt  }
0x61: {  	_ =	shalt  }
0x62: {  	_ =	shalt  }
0x63: {  	_ =	shalt  }
0x64: {  	_ =	shalt  }
0x65: {  	_ =	shalt  }
0x66: {  	_ =	shalt  }
0x67: {  	_ =	shalt  }
0x68: {  	_ =	shalt  }
0x69: {  	_ =	shalt  }
0x6a: {  	_ =	shalt  }
0x6b: {  	_ =	shalt  }
0x6c: {  	_ =	shalt  }
0x6d: {  	_ =	shalt  }
0x6e: {  	_ =	shalt  }
0x6f: {  	_ =	shalt  }
0x70: {  	_ =	shalt  }
0x71: {  	_ =	shalt  }
0x72: {  	_ =	shalt  }
0x73: {  	_ =	shalt  }
0x74: {  	_ =	shalt  }
0x75: {  	_ =	shalt  }
0x76: {  	_ =	shalt  }
0x77: {  	_ =	shalt  }
0x78: {  	_ =	shalt  }
0x79: {  	_ =	shalt  }
0x7a: {  	_ =	shalt  }
0x7b: {  	_ =	shalt  }
0x7c: {  	_ =	shalt  }
0x7d: {  	_ =	shalt  }
0x7e: {  	_ =	shalt  }
0x7f: {  	_ =	shalt  }
0x80: {  	_ =	shalt  }
0x81: {  	_ =	shalt  }
0x82: {  	_ =	shalt  }
0x83: {  	_ =	shalt  }
0x84: {  	_ =	shalt  }
0x85: {  	_ =	shalt  }
0x86: {  	_ =	shalt  }
0x87: {  	_ =	shalt  }
.Lfunc_end0:
.L_simem_size_0:
called_computation_lowered:
.L_overlay_start_0:
0x88: {  	s2 =	sld [smem:$0x3FD9]  }
0x89: {  	s3 =	sld [smem:$0x3FFE];
	_ =	sdelay $0x1  }
0x8a: {  	s1 =	srdreg.scid  }
0x8b: {  	s0 =	sand.u32 $0x1, s1  }
0x8c: {  	s28 =	sshll.u32 s0, $0xA;
	s2 =	sadd.s32 s3, s2  }
0x8d: {  	s2 =	sadd.s32 s2, s28  }
0x8e: {  	[smem:$0x3FBF] =	sst s2  }
0x8f: {  	_ = 	snop  }
0x90: {  	s2 =	sld [smem:$0x3FC9]  }
0x91: {  	s3 =	sld [smem:$0x3FC8]  }
0x92: {  	s4 =	sld [smem:$0x3FC7]  }
0x93: {  	s5 =	sld [smem:$0x3FC6]  }
0x94: {  	s6 =	sld [smem:$0x3FD0]  }
0x95: {  	s7 =	sld [smem:$0x3FC5]  }
0x96: {  	s8 =	sld [smem:$0x3FC4]  }
0x97: {  	s10 =	simm.s32 $0xA;
	s11 =	simm.s32 $0x10;
	s9 =	sld [smem:$0x3FC3]  }
0x98: {  	[smem:s11], [sflag:s10] =	dma.local [hbm:s6], $0x1  }
0x99: {  	_ =	swait.eq [sflag:s10], $0x1  }
0x9a: {  	s29 =	sld [smem:$0x10]  }
0x9b: {  	s30 =	sld [smem:$0x11]  }
0x9c: {  	s12 =	sld [smem:$0x12];
	[sflag:s10] =	ssyncset.done $0x0  }
0x9d: {  	s13 =	sld [smem:$0x13];
	[sflag:s10] =	ssyncadd.s32 $0xFFFFFFFF  }
0x9e: {  	s31 =	sld [smem:$0x14];
	(tm) =	ssettm $0x1  }
0x9f: {  	s14 =	sld [smem:$0x3FFB];
	_ =	sdelay $0x3  }
0xa0: {  	_ =	strace s14  }
0xa1: {  	s14 =	sld [smem:$0x3FFC];
	_ =	sdelay $0x3  }
0xa2: {  	_ =	strace s14  }
0xa3: {  	s14 =	sld [smem:$0x3FFD];
	_ =	sdelay $0x3  }
0xa4: {  	_ =	strace s14  }
0xa5: {  	_ =	strace $0x8FFFFFFF  }
0xa6: {  	s19 =	sld [smem:$0x3FDB];
	_ =	sdelay $0x1  }
0xa7: {  	s15 =	simm.s32 $_scs_section_size  }
0xa8: {  	s16 =	simm.s32 $_size__tile_overlayer_lowered;
	s17 =	simm.s32 $_tile_overlayer_lowered  }
0xa9: {  	s22 =	simm.s32 $0x1BFF;
	s21 =	sshll.u32 s17, $0x1;
	s14 =	sadd.s32 s15, s19  }
0xaa: {  	s18 =	simm.s32 $0x0;
	s20 =	sshll.u32 s16, $0x1;
	s16 =	sadd.s32 s21, s14  }
0xab: {  	[timem:s18], [sflag:s22] =	dma.local [hbm:s16], s20  }
0xac: {  	_ =	swait.ge [sflag:s22], s20  }
0xad: {  	s15 =	ssub.s32 $0x0, s20;
	[sflag:s22] =	ssyncset.done $0x0  }
0xae: {  	[sflag:s22] =	ssyncadd.s32 s15;
	_ =	sdelay $0x1  }
0xaf: {  	s23 =	simm.s32 $0x1B8B  }
0xb0: {  	_ =	swait.ge [sflag:s23], $0x1  }
0xb1: {  	[sflag:s23] =	ssyncset.done $0x0  }
0xb2: {  	s25 =	simm.s32 $0x1B8E;
	s24 =	sld [smem:$0x3FFE];
	[sflag:s23] =	ssyncadd.s32 $0xFFFFFFFF  }
0xb3: {  	s26 =	simm.s32 $execute0_lowered;
	[smem:$0x3FD2] =	sst s25  }
0xb4: {  	s16 =	sshll.u32 s26, $0x1;
	_ =	strace $0x80000046;
	[dreg:$0x1] =	wrdreg $0xFFFFFFFF  }
0xb5: {  	s28 =	simm.s32 $_size_execute0_lowered;
	s14 =	sadd.s32 s14, s16;
	[dreg:$0x0] =	wrdreg $0x0  }
0xb6: {  	s16 =	sshll.u32 s28, $0x1;
	[dreg:$0x2] =	wrdreg s14  }
0xb7: {  	[dreg:$0x3] =	wrdreg s16  }
0xb8: {  	[dreg:$0x4] =	wrdreg $0xC0  }
0xb9: {  	_ =	task [dreg:s18], $0x5FFFF  }
0xba: {  	[dreg:$0x1] =	wrdreg $0xFFFFFFFF  }
0xbb: {  	[dreg:$0x0] =	wrdreg $0x60  }
0xbc: {  	[dreg:$0x2] =	wrdreg s2  }
0xbd: {  	[dreg:$0x3] =	wrdreg s3  }
0xbe: {  	[dreg:$0x4] =	wrdreg s4  }
0xbf: {  	[dreg:$0x5] =	wrdreg s5  }
0xc0: {  	[dreg:$0x6] =	wrdreg s7  }
0xc1: {  	[dreg:$0x7] =	wrdreg s8  }
0xc2: {  	[dreg:$0x8] =	wrdreg s9  }
0xc3: {  	[dreg:$0x9] =	wrdreg s24  }
0xc4: {  	[dreg:$0xa] =	wrdreg s29  }
0xc5: {  	[dreg:$0xb] =	wrdreg s30  }
0xc6: {  	[dreg:$0xc] =	wrdreg s12  }
0xc7: {  	[dreg:$0xd] =	wrdreg s13  }
0xc8: {  	[dreg:$0xe] =	wrdreg s31  }
0xc9: {  	[dreg:$0xf] =	wrdreg $0x9  }
0xca: {  	_ =	task.clear_ibuf [dreg:s18], $0x10FFFF;
	_ =	strace $0x90000046  }
0xcb: {  	s29 =	simm.s32 $0x9;
	_ =	strace $0x80000048  }
0xcc: {  	_ =	swait.ge [sflag:s29], $0x1  }
0xcd: {  	[sflag:s29] =	ssyncadd.s32 $0xFFFFFFFF  }
0xce: {  	_ =	strace $0x90000048  }
0xcf: {  	_ =	sfence  }
0xd0: {  	s30 =	sld [smem:$0x0];
	_ =	sdelay $0x2  }
0xd1: {  	s31 =	sshll.u32 s1, $0xD;
	s1 =	sshrl.u32 s1, $0x2  }
0xd2: {  	s3 =	sand.u32 $0x4000, s31;
	s1 =	sadd.s32 s1, s30  }
0xd3: {  	s0 =	sor.u32 s3, s0;
	s1 =	sshll.u32 s1, $0x11  }
0xd4: {  	s0 =	sor.u32 s1, s0  }
0xd5: {  	s0 =	sadd.s32 $0x8F2B, s0  }
0xd6: {  	[sflag:s0] =	ssyncadd.remote.s32 $0x1  }
0xd7: {  	_ =	sfence.sel $0xFFFF  }
0xd8: {  	[dreg:$0x0] =	wrdreg $0xFFFFFFFF;
	(pc) =	sbr.abs _section_cstart, $3  }
0xd9: {  	[dreg:$0x1] =	wrdreg $0xFFFFFFFF  }
0xda: {  	_ =	task.clear_ibuf [dreg:s18], $0x2FFFF;
	_ =	strace $0x9FFFFFFF  }
0xdb: {  	(tm) =	ssettm $0x7FFFFFFF  }
tec
execute0_lowered:
.L_overlay_start_1:
0x0: {  	(tag) =	ssettag $0x1  }
0x1: {  	s0 =	rddreg [dreg:$0x0]  }
0x2: {  	s1 =	rddreg [dreg:$0x1]  }
0x3: {  	s2 =	rddreg [dreg:$0x2]  }
0x4: {  	s4 =	rddreg [dreg:$0x3]  }
0x5: {  	s12 =	rddreg [dreg:$0x4]  }
0x6: {  	s13 =	rddreg [dreg:$0x5]  }
0x7: {  	s11 =	rddreg [dreg:$0x7]  }
0x8: {  	s14 =	rddreg [dreg:$0x8]  }
0x9: {  	s15 =	rddreg [dreg:$0x9]  }
0xa: {  	s16 =	rddreg [dreg:$0xa]  }
0xb: {  	s17 =	rddreg [dreg:$0xb]  }
0xc: {  	s18 =	rddreg [dreg:$0xc];
	s3 =	simm.s32 $0x0;
	s7 =	srdreg.scid  }
0xd: {  	s9 =	stileid.u32;
	s25 =	simm.s32 $0x4;
	s26 =	simm.s32 $0x200  }
0xe: {  	s21 =	simm.s32 $0x1C00;
	s22 =	simm.s32 $0x1E00;
	s23 =	simm.s32 $0x2  }
0xf: {  	s24 =	simm.s32 $0x0;
	[smem:$0x7FF] =	sst s3;
	s5 =	sadd.s32 $0x6400, s11  }
0x10: {  	s6 =	sadd.s32 $0x9600, s11;
	s7 =	sand.u32 $0x1, s7;
	s9 =	sshll.u32 s9, $0x7  }
0x11: {  	_ =	strace $0x80000047;
	s8 =	ssub.s32 $0x2, s7;
	s10 =	sshll.u32 s7, $0x6  }
0x12: {  	s7 =	sadd.s32 $0x3200, s11;
	s31 =	sshrl.u32 s8, $0x1;
	s19 =	sor.u32 s10, s9  }
0x13: {  	s20 =	ssub.s32 s8, s31;
	s8 =	sadd.s32 s0, s19;
	s9 =	sadd.s32 s1, s19  }
0x14: {  	s10 =	sadd.s32 s2, s19;
	s11 =	sadd.s32 s4, s19;
	s12 =	sadd.s32 s12, s19  }
0x15: {  	s13 =	sadd.s32 s13, s19;
	s14 =	sadd.s32 s14, s19;
	s15 =	sadd.s32 s15, s19  }
0x16: {  	s16 =	sadd.s32 s16, s19;
	s17 =	sadd.s32 s17, s19;
	s18 =	sadd.s32 s18, s19  }
0x17: {  	s1 =	simm.s32 $0x3;
	s4 =	simm.s32 $0x1;
	s0 =	simm.s32 $0x1600  }
0x18: {  	s2 =	simm.s32 $0x1800;
	s19 =	smax.u32 s20, $0x1;
	s20 =	simm.s32 $0x1A00  }
.LBB2_1:
0x19: {  	s28 =	simm.s32 $0xC00  }
0x1a: {  	[tilespmem:s28], [sflag:$0x3] =	stream.linear.gather [hbm4b:s8+s3], $0x200, $0x38;
	[tilespmem:$0x2000] =	vst v63  }
0x1b: {  	s28 =	simm.s32 $0xE00  }
0x1c: {  	[tilespmem:s28], [sflag:$0x3] =	stream.linear.gather [hbm4b:s9+s3], $0x200, $0x38;
	[tilespmem:$0x2000] =	vst v63  }
0x1d: {  	s28 =	simm.s32 $0x1000  }
0x1e: {  	[tilespmem:s28], [sflag:$0x3] =	stream.linear.gather [hbm4b:s10+s3], $0x200, $0x38;
	[tilespmem:$0x2000] =	vst v63  }
0x1f: {  	s28 =	simm.s32 $0x1200  }
0x20: {  	[tilespmem:s28], [sflag:$0x3] =	stream.linear.gather [hbm4b:s11+s3], $0x200, $0x38;
	[tilespmem:$0x2000] =	vst v63  }
0x21: {  	s28 =	simm.s32 $0x1400  }
0x22: {  	[tilespmem:s28], [sflag:$0x3] =	stream.linear.gather [hbm4b:s12+s3], $0x200, $0x38;
	[tilespmem:$0x2000] =	vst v63  }
0x23: {  	_ = 	snop  }
0x24: {  	[tilespmem:s3], [sflag:$0x4] =	stream.linear.gather [hbm4b:s13+s3], $0x200, $0x38;
	[tilespmem:$0x2000] =	vst v63  }
0x25: {  	_ =	swait.ge [sflag:s25], $0x200  }
0x26: {  	[sflag:s25] =	ssyncset.done $0x0  }
0x27: {  	[sflag:s25] =	ssyncadd.s32 $0xFFFFFE00  }
0x28: {  	s28 =	rddreg [dreg:$0x6]  }
0x29: {  	[tilespmem:s26], [sflag:$0x1] =	stream.indirect.gather [hbm4b:s28+s26], $0x1, s3, s26, $0xb8;
	[tilespmem:$0x2000] =	vst v63  }
0x2a: {  	s28 =	simm.s32 $0x400  }
0x2b: {  	[tilespmem:s28], [sflag:$0x1] =	stream.indirect.gather [hbm4b:s5+s26], $0x1, s3, s26, $0xb8;
	[tilespmem:$0x2000] =	vst v63  }
0x2c: {  	s28 =	simm.s32 $0x600  }
0x2d: {  	[tilespmem:s28], [sflag:$0x1] =	stream.indirect.gather [hbm4b:s6+s26], $0x1, s3, s26, $0xb8;
	[tilespmem:$0x2000] =	vst v63  }
0x2e: {  	s28 =	simm.s32 $0x800  }
0x2f: {  	[tilespmem:s28], [sflag:$0x1] =	stream.indirect.gather [hbm4b:s7+s26], $0x1, s3, s26, $0xb8;
	[tilespmem:$0x2000] =	vst v63  }
0x30: {  	s29 =	simm.s32 $0xA00;
	s28 =	rddreg [dreg:$0x7]  }
0x31: {  	[tilespmem:s29], [sflag:$0x1] =	stream.indirect.gather [hbm4b:s28+s26], $0x1, s3, s26, $0xb8;
	[tilespmem:$0x2000] =	vst v63  }
0x32: {  	_ =	swait.ge [sflag:s1], $0x200  }
0x33: {  	[sflag:s1] =	ssyncset.done $0x0  }
0x34: {  	[sflag:s1] =	ssyncadd.s32 $0xFFFFFE00  }
0x35: {  	_ =	swait.ge [sflag:s1], $0x200  }
0x36: {  	[sflag:s1] =	ssyncset.done $0x0  }
0x37: {  	[sflag:s1] =	ssyncadd.s32 $0xFFFFFE00  }
0x38: {  	_ =	swait.ge [sflag:s1], $0x200  }
0x39: {  	[sflag:s1] =	ssyncset.done $0x0  }
0x3a: {  	[sflag:s1] =	ssyncadd.s32 $0xFFFFFE00  }
0x3b: {  	_ =	swait.ge [sflag:s1], $0x200  }
0x3c: {  	[sflag:s1] =	ssyncset.done $0x0  }
0x3d: {  	[sflag:s1] =	ssyncadd.s32 $0xFFFFFE00  }
0x3e: {  	_ =	swait.ge [sflag:s1], $0x200  }
0x3f: {  	[sflag:s1] =	ssyncset.done $0x0  }
0x40: {  	[sflag:s1] =	ssyncadd.s32 $0xFFFFFE00  }
0x41: {  	_ =	swait.ge [sflag:s4], $0x200  }
0x42: {  	[sflag:s4] =	ssyncset.done $0x0  }
0x43: {  	[sflag:s4] =	ssyncadd.s32 $0xFFFFFE00  }
0x44: {  	_ =	swait.ge [sflag:s4], $0x200  }
0x45: {  	[sflag:s4] =	ssyncset.done $0x0  }
0x46: {  	[sflag:s4] =	ssyncadd.s32 $0xFFFFFE00  }
0x47: {  	_ =	swait.ge [sflag:s4], $0x200  }
0x48: {  	[sflag:s4] =	ssyncset.done $0x0  }
0x49: {  	[sflag:s4] =	ssyncadd.s32 $0xFFFFFE00  }
0x4a: {  	_ =	swait.ge [sflag:s4], $0x200  }
0x4b: {  	[sflag:s4] =	ssyncset.done $0x0  }
0x4c: {  	[sflag:s4] =	ssyncadd.s32 $0xFFFFFE00  }
0x4d: {  	_ =	swait.ge [sflag:s4], $0x200  }
0x4e: {  	[sflag:s4] =	ssyncset.done $0x0  }
0x4f: {  	s28 =	simm.s32 $0x0;
	[sflag:s4] =	ssyncadd.s32 $0xFFFFFE00  }
0x50: {  	v0 =	vld [tilespmem:s28+$0x230]  }
0x51: {  	v1 =	vld [tilespmem:s28+$0x200]  }
0x52: {  	v2 =	vld [tilespmem:s28+$0x210]  }
0x53: {  	v5 =	vld [tilespmem:s28+$0xE00]  }
0x54: {  	v6 =	vld [tilespmem:s28+$0x400]  }
0x55: {  	v7 =	vld [tilespmem:s28+$0x1000]  }
0x56: {  	v8 =	vld [tilespmem:s28+$0x600];
	v0 =	vmul.f32 $1.442695020e+00, v0  }
0x57: {  	v9 =	vld [tilespmem:s28+$0x1200]  }
0x58: {  	v10 =	vld [tilespmem:s28+$0x800];
	(erf) = vpow2.f32 v0  }
0x59: {  	v0 =	vadd.f32 v6, v5  }
0x5a: {  	v1 =	vmul.f32 $1.442695020e+00, v1  }
0x5b: {  	v2 =	vmul.f32 $1.442695020e+00, v2;
	[tilespmem:s28+$0x1800] =	vst v0;
	v0 =	vadd.f32 v8, v7  }
0x5c: {  	(erf) = vpow2.f32 v1  }
0x5d: {  	v1 =	vld [tilespmem:s28+$0xC30];
	(erf) = vpow2.f32 v2;
	[tilespmem:s28+$0x1A00] =	vst v0;
	v0 =	vadd.f32 v10, v9;
	_ =	sdelay $0x3  }
0x5e: {  	v3 =	vld [tilespmem:s28+$0x220];
	[tilespmem:s28+$0x1C00] =	vst v0;
	v0 =	vpop (erf)  }
0x5f: {  	v6 =	vld [tilespmem:s28+$0xC10];
	v0 =	vmul.f32 v0, v1  }
0x60: {  	v4 =	vld [tilespmem:s28+$0xC00]  }
0x61: {  	v61 =	vld [tilespmem:s28+$0x410]  }
0x62: {  	v62 =	vld [tilespmem:s28+$0x1010];
	v1 =	vpop (erf)  }
0x63: {  	v5 =	vld [tilespmem:s28+$0x1400];
	[tilespmem:s28+$0x1630] =	vst v0;
	v0 =	vpop (erf)  }
0x64: {  	v2 =	vld [tilespmem:s28+$0xA00];
	v0 =	vmul.f32 v0, v6  }
0x65: {  	v7 =	vld [tilespmem:s28+$0xE10]  }
0x66: {  	v63 =	vld [tilespmem:s28+$0x610];
	[tilespmem:s28+$0x1610] =	vst v0;
	v0 =	vmul.f32 $1.442695020e+00, v3  }
0x67: {  	v1 =	vmul.f32 v1, v4  }
0x68: {  	v4 =	vld [tilespmem:s28+$0x1210];
	(erf) = vpow2.f32 v0  }
0x69: {  	v2 =	vadd.f32 v2, v5;
	[tilespmem:s28+$0x1600] =	vst v1;
	v1 =	vld [tilespmem:s28+$0x810]  }
0x6a: {  	v5 =	vadd.f32 v61, v7;
	v3 =	vld [tilespmem:s28+$0x1410]  }
0x6b: {  	[tilespmem:s28+$0x1E00] =	vst v2;
	v2 =	vadd.f32 v63, v62;
	v0 =	vld [tilespmem:s28+$0xA10]  }
0x6c: {  	[tilespmem:s28+$0x1810] =	vst v5;
	v5 =	vld [tilespmem:s28+$0xC20]  }
0x6d: {  	[tilespmem:s28+$0x1A10] =	vst v2;
	v2 =	vld [tilespmem:s28+$0x420]  }
0x6e: {  	v6 =	vld [tilespmem:s28+$0xE20];
	v1 =	vadd.f32 v1, v4  }
0x6f: {  	v4 =	vld [tilespmem:s28+$0x1020]  }
0x70: {  	[tilespmem:s28+$0x1C10] =	vst v1;
	v1 =	vld [tilespmem:s28+$0x620];
	v0 =	vadd.f32 v0, v3  }
0x71: {  	v7 =	vld [tilespmem:s28+$0x1220];
	v3 =	vpop (erf)  }
0x72: {  	[tilespmem:s28+$0x1E10] =	vst v0;
	v0 =	vld [tilespmem:s28+$0x820];
	v3 =	vmul.f32 v3, v5  }
0x73: {  	v5 =	vld [tilespmem:s28+$0xA20]  }
0x74: {  	v2 =	vadd.f32 v2, v6;
	[tilespmem:s28+$0x1620] =	vst v3;
	v3 =	vld [tilespmem:s28+$0x1420]  }
0x75: {  	v6 =	vld [tilespmem:s28+$0x430];
	v1 =	vadd.f32 v1, v4  }
0x76: {  	[tilespmem:s28+$0x1820] =	vst v2;
	v4 =	vld [tilespmem:s28+$0xE30]  }
0x77: {  	v2 =	vld [tilespmem:s28+$0x630];
	[tilespmem:s28+$0x1A20] =	vst v1;
	v1 =	vadd.f32 v0, v7  }
0x78: {  	v0 =	vld [tilespmem:s28+$0x1030]  }
0x79: {  	[tilespmem:s28+$0x1C20] =	vst v1;
	v1 =	vld [tilespmem:s28+$0x1230];
	v5 =	vadd.f32 v5, v3  }
0x7a: {  	v3 =	vld [tilespmem:s28+$0x830]  }
0x7b: {  	s30 =	simm.s32 $0x100;
	s29 =	simm.s32 $0x0;
	[tilespmem:s28+$0x1E20] =	vst v5;
	v5 =	vadd.f32 v6, v4;
	v4 =	vld [tilespmem:s28+$0x1430]  }
.LBB2_2:
0x7c: {  	s31 =	sshra.s32 s30, $0x2;
	s29 =	sadd.s32 $0x4, s29;
	v6 =	vld [tilespmem:s28+$0xA30]  }
0x7d: {  	v7 =	vld [tilespmem:s31+$0x230];
	p0 =	slt.u32 s29, $0x1C;
	[tilespmem:s28+$0x1830] =	vst v5;
	v0 =	vadd.f32 v2, v0  }
0x7e: {  	v2 =	vld [tilespmem:s31+$0x200]  }
0x7f: {  	v5 =	vld [tilespmem:s31+$0x210];
	[tilespmem:s28+$0x1A30] =	vst v0;
	v0 =	vadd.f32 v3, v1  }
0x80: {  	v1 =	vld [tilespmem:s31+$0x220]  }
0x81: {  	v3 =	vld [tilespmem:s31+$0xC00];
	[tilespmem:s28+$0x1C30] =	vst v0;
	v0 =	vadd.f32 v6, v4  }
0x82: {  	v4 =	vld [tilespmem:s31+$0xE00];
	v6 =	vmul.f32 $1.442695020e+00, v7  }
0x83: {  	v2 =	vmul.f32 $1.442695020e+00, v2;
	v7 =	vld [tilespmem:s31+$0x400];
	[tilespmem:s28+$0x1E30] =	vst v0;
	s28 =	smov.u32 s31  }
0x84: {  	v0 =	vld [tilespmem:s28+$0x1000];
	v5 =	vmul.f32 $1.442695020e+00, v5;
	(erf) = vpow2.f32 v6  }
0x85: {  	v6 =	vld [tilespmem:s28+$0x600];
	v1 =	vmul.f32 $1.442695020e+00, v1;
	(erf) = vpow2.f32 v2  }
0x86: {  	v2 =	vld [tilespmem:s28+$0x1200];
	(erf) = vpow2.f32 v5  }
0x87: {  	v5 =	vld [tilespmem:s28+$0x800];
	(erf) = vpow2.f32 v1  }
0x88: {  	v1 =	vadd.f32 v7, v4;
	v4 =	vld [tilespmem:s28+$0x1400]  }
0x89: {  	v7 =	vld [tilespmem:s28+$0xC30]  }
0x8a: {  	[tilespmem:s28+$0x1800] =	vst v1;
	v0 =	vadd.f32 v6, v0;
	v1 =	vld [tilespmem:s28+$0xA00]  }
0x8b: {  	v6 =	vld [tilespmem:s28+$0xC10]  }
0x8c: {  	[tilespmem:s28+$0x1A00] =	vst v0;
	v0 =	vadd.f32 v5, v2;
	v2 =	vld [tilespmem:s28+$0xE10]  }
0x8d: {  	v5 =	vld [tilespmem:s28+$0x410];
	v8 =	vpop (erf)  }
0x8e: {  	[tilespmem:s28+$0x1C00] =	vst v0;
	v0 =	vld [tilespmem:s28+$0x1010];
	v9 =	vmul.f32 v8, v7;
	v8 =	vpop (erf)  }
0x8f: {  	v3 =	vmul.f32 v8, v3;
	v1 =	vadd.f32 v1, v4;
	v4 =	vld [tilespmem:s28+$0x610];
	v8 =	vpop (erf)  }
0x90: {  	v6 =	vmul.f32 v8, v6;
	v8 =	vld [tilespmem:s28+$0x1210];
	[tilespmem:s28+$0x1630] =	vst v9;
	v7 =	vpop (erf)  }
0x91: {  	[tilespmem:s28+$0x1600] =	vst v3;
	v3 =	vld [tilespmem:s28+$0x810]  }
0x92: {  	[tilespmem:s28+$0x1610] =	vst v6;
	v2 =	vadd.f32 v5, v2;
	v5 =	vld [tilespmem:s28+$0x1410]  }
0x93: {  	[tilespmem:s28+$0x1E00] =	vst v1;
	v1 =	vld [tilespmem:s28+$0xA10]  }
0x94: {  	[tilespmem:s28+$0x1810] =	vst v2;
	v0 =	vadd.f32 v4, v0;
	v2 =	vld [tilespmem:s28+$0xC20]  }
0x95: {  	v4 =	vld [tilespmem:s28+$0xE20]  }
0x96: {  	[tilespmem:s28+$0x1A10] =	vst v0;
	v0 =	vadd.f32 v3, v8;
	v3 =	vld [tilespmem:s28+$0x420]  }
0x97: {  	v6 =	vld [tilespmem:s28+$0x1020]  }
0x98: {  	[tilespmem:s28+$0x1C10] =	vst v0;
	v0 =	vadd.f32 v1, v5;
	v1 =	vld [tilespmem:s28+$0x620]  }
0x99: {  	v2 =	vmul.f32 v7, v2;
	v5 =	vld [tilespmem:s28+$0x1220]  }
0x9a: {  	[tilespmem:s28+$0x1E10] =	vst v0;
	v0 =	vld [tilespmem:s28+$0x820]  }
0x9b: {  	[tilespmem:s28+$0x1620] =	vst v2;
	v2 =	vadd.f32 v3, v4;
	v3 =	vld [tilespmem:s28+$0x1420]  }
0x9c: {  	v4 =	vld [tilespmem:s28+$0xA20]  }
0x9d: {  	[tilespmem:s28+$0x1820] =	vst v2;
	v1 =	vadd.f32 v1, v6;
	v6 =	vld [tilespmem:s28+$0xE30]  }
0x9e: {  	v7 =	vld [tilespmem:s28+$0x430]  }
.Ltmp0:
0x9f: {  	[tilespmem:s28+$0x1A20] =	vst v1;
	v1 =	vadd.f32 v0, v5;
	v0 =	vld [tilespmem:s28+$0x1030];
	(pc) =	sbr.rel @p0 .LBB2_2-.Ltmp0, $4  }
0xa0: {  	v2 =	vld [tilespmem:s28+$0x630]  }
0xa1: {  	[tilespmem:s28+$0x1C20] =	vst v1;
	v4 =	vadd.f32 v4, v3;
	v1 =	vld [tilespmem:s28+$0x1230]  }
0xa2: {  	v3 =	vld [tilespmem:s28+$0x830]  }
0xa3: {  	s30 =	sadd.s32 $0x100, s30;
	[tilespmem:s28+$0x1E20] =	vst v4;
	v5 =	vadd.f32 v7, v6;
	v4 =	vld [tilespmem:s28+$0x1430]  }
0xa4: {  	v6 =	vld [tilespmem:s28+$0xA30];
	_ =	sdelay $0x2  }
0xa5: {  	v0 =	vadd.f32 v2, v0  }
0xa6: {  	[tilespmem:s28+$0x1830] =	vst v5;
	v1 =	vadd.f32 v3, v1  }
0xa7: {  	[tilespmem:s28+$0x1A30] =	vst v0;
	v63 =	vadd.f32 v6, v4  }
0xa8: {  	[tilespmem:s28+$0x1C30] =	vst v1  }
0xa9: {  	[tilespmem:s28+$0x1E30] =	vst v63  }
0xaa: {  	[hbm4b:s14+s3] =	stream.linear.scatter [tilespmem:s0], [sflag:$0x2], $0x200, $0x38;
	[tilespmem:$0x2000] =	vst v63  }
0xab: {  	_ = 	snop  }
0xac: {  	[hbm4b:s15+s3] =	stream.linear.scatter [tilespmem:s2], [sflag:$0x2], $0x200, $0x38;
	[tilespmem:$0x2000] =	vst v63  }
0xad: {  	_ = 	snop  }
0xae: {  	[hbm4b:s16+s3] =	stream.linear.scatter [tilespmem:s20], [sflag:$0x2], $0x200, $0x38;
	[tilespmem:$0x2000] =	vst v63  }
0xaf: {  	_ = 	snop  }
0xb0: {  	[hbm4b:s17+s3] =	stream.linear.scatter [tilespmem:s21], [sflag:$0x2], $0x200, $0x38;
	[tilespmem:$0x2000] =	vst v63  }
0xb1: {  	_ = 	snop  }
0xb2: {  	[hbm4b:s18+s3] =	stream.linear.scatter [tilespmem:s22], [sflag:$0x2], $0x200, $0x38;
	[tilespmem:$0x2000] =	vst v63  }
0xb3: {  	_ =	swait.ge [sflag:s23], $0x200  }
0xb4: {  	[sflag:s23] =	ssyncset.done $0x0  }
0xb5: {  	[sflag:s23] =	ssyncadd.s32 $0xFFFFFE00  }
0xb6: {  	_ =	swait.ge [sflag:s23], $0x200  }
0xb7: {  	[sflag:s23] =	ssyncset.done $0x0  }
0xb8: {  	[sflag:s23] =	ssyncadd.s32 $0xFFFFFE00  }
0xb9: {  	_ =	swait.ge [sflag:s23], $0x200  }
0xba: {  	[sflag:s23] =	ssyncset.done $0x0  }
0xbb: {  	s24 =	sadd.s32 $0x1, s24;
	[sflag:s23] =	ssyncadd.s32 $0xFFFFFE00  }
0xbc: {  	p0 =	sne.s32 s24, s19;
	_ =	swait.ge [sflag:s23], $0x200  }
.Ltmp1:
0xbd: {  	[sflag:s23] =	ssyncset.done $0x0;
	(pc) =	sbr.rel @p0 .LBB2_1-.Ltmp1, $4  }
0xbe: {  	[sflag:s23] =	ssyncadd.s32 $0xFFFFFE00  }
0xbf: {  	_ =	swait.ge [sflag:s23], $0x200  }
0xc0: {  	[sflag:s23] =	ssyncset.done $0x0  }
0xc1: {  	[sflag:s23] =	ssyncadd.s32 $0xFFFFFE00  }
0xc2: {  	_ =	sfence.sel $0x180000  }
0xc3: {  	[bflag:$0x0] =	sbarrier.arrive $0xFFFF  }
0xc4: {  	_ =	strace $0x90000047  }
0xc5: {  	s0 =	stileid.u32;
	[bflag:$0x2] =	sbarrier.arrive $0xFFFF  }
0xc6: {  	p0 =	sne.s32 s0, $0x0;
	s0 =	rddreg [dreg:$0xd]  }
0xc7: {  	s0 =	sadd.s32 @!p0 $0x100000, s0  }
0xc8: {  	[sflag:s0] =	ssyncadd.tile.s32 @!p0 $0x1;
	_ =	shalt  }
.Lfunc_end2:
_tile_overlayer_lowered:
.L_overlay_start_2:
0xc9: {  	(tag) =	ssettag $0x2  }
0xca: {  	s0 =	rddreg [dreg:$0x0];
	s2 =	stileid.u32  }
0xcb: {  	s1 =	rddreg [dreg:$0x1];
	p0 =	sne.s32 s2, $0x0  }
0xcc: {  	s3 =	rddreg [dreg:$0x2];
	[bflag:$0x3] =	sbarrier.arrive $0xFFFF;
	s2 =	simm.s32 @!p0 $0x1C04  }
0xcd: {  	[timem:s3], [sflag:s2] =	dma.local @!p0 [hbm:s0], s1  }
0xce: {  	s0 =	simm.s32 @!p0 $0x4  }
0xcf: {  	_ =	swait.ge @!p0 [sflag:s0], s1  }
0xd0: {  	s1 =	ssub.s32 @!p0 $0x0, s1;
	[sflag:s0] =	ssyncset.done @!p0 $0x0  }
0xd1: {  	[sflag:s0] =	ssyncadd.s32 @!p0 s1  }
0xd2: {  	[bflag:$0x3] =	sbarrier.arrive $0xFFFF  }
0xd3: {  	_ =	shalt  }

</sc_bundles>
